<compile_context>
chip_gen: v7x
topology: tpu7x:2x2x1
jax: 0.10.2.dev20260603
libtpu: 0.0.44.dev20260713+nightly
codegen_flags: <defaults>
</compile_context>

<pallas_src>
import functools

import jax
import jax.numpy as jnp
from jax import lax
from jax.experimental import pallas as pl
from jax.experimental.pallas import tpu as pltpu
from jax.experimental.pallas import tpu_sc as plsc

N = 10000
E = 320000
D = 128
NC = 2
NS = 16
NW = NC * NS
EPW = E // NW
C = 128
FULL = EPW // C
TAIL = EPW - FULL * C
RPT = 624
REM = N - NS * RPT

_mesh = plsc.VectorSubcoreMesh(core_axis_name="c", subcore_axis_name="s")


def _agg_body(h, src, dst, zrow, msum_o,
              acc, sidx0, didx0, rows0, sidx1, didx1, rows1,
              sidx_t, didx_t, rows_t, sem0, sem1, semi0, semi1):
    _agg_pipeline(h, src, dst, zrow, msum_o, acc, sidx0, didx0, rows0,
                  sidx1, didx1, rows1, sidx_t, didx_t, rows_t,
                  sem0, sem1, semi0, semi1)


def _zero_acc(zrow, acc, sid):
    pltpu.sync_copy(zrow, acc.at[pl.ds(sid * RPT, RPT)])

    @pl.when(sid == 0)
    def _():
        pltpu.sync_copy(zrow.at[pl.ds(0, REM)], acc.at[pl.ds(NS * RPT, REM)])


def _drain_acc(acc, out, cid, sid):
    pltpu.sync_copy(acc.at[pl.ds(sid * RPT, RPT)],
                    out.at[cid, pl.ds(sid * RPT, RPT)])

    @pl.when(sid == 0)
    def _():
        pltpu.sync_copy(acc.at[pl.ds(NS * RPT, REM)],
                        out.at[cid, pl.ds(NS * RPT, REM)])


def _agg_pipeline(h, src, dst, zrow, msum_o,
                  acc, sidx0, didx0, rows0, sidx1, didx1, rows1,
                  sidx_t, didx_t, rows_t, sem0, sem1, semi0, semi1):
    cid = lax.axis_index("c")
    sid = lax.axis_index("s")
    wid = cid * NS + sid
    _zero_acc(zrow, acc, sid)
    plsc.subcore_barrier()
    base = wid * EPW
    _gather_scatter(h, src, dst, acc, sidx0, didx0, rows0, sidx1, didx1,
                    rows1, sem0, sem1, semi0, semi1, base, FULL)
    off = base + FULL * C
    pltpu.sync_copy(src.at[pl.ds(off, TAIL)], sidx_t)
    pltpu.sync_copy(dst.at[pl.ds(off, TAIL)], didx_t)
    pltpu.async_copy(h.at[sidx_t], rows_t, sem0).wait()
    pltpu.sync_copy(rows_t, acc.at[didx_t], add=True)
    plsc.subcore_barrier()
    _drain_acc(acc, msum_o, cid, sid)


def _gather_scatter(h, src, dst, acc, sidx0, didx0, rows0, sidx1, didx1,
                    rows1, sem0, sem1, semi0, semi1, base, n_full):
    def fire_idx(off, sidx, didx, semi):
        pltpu.async_copy(src.at[pl.ds(off, C)], sidx, semi)
        pltpu.async_copy(dst.at[pl.ds(off, C)], didx, semi)

    def wait_idx(sidx, didx, semi):
        pltpu.make_async_copy(src.at[pl.ds(base, C)], sidx, semi).wait()
        pltpu.make_async_copy(dst.at[pl.ds(base, C)], didx, semi).wait()

    fire_idx(base, sidx0, didx0, semi0)
    wait_idx(sidx0, didx0, semi0)
    pltpu.async_copy(h.at[sidx0], rows0, sem0)
    fire_idx(base + C, sidx1, didx1, semi1)
    LAST = n_full // 2 - 1

    @pl.loop(0, n_full // 2)
    def _(j):
        c0 = base + (2 * j) * C
        wait_idx(sidx1, didx1, semi1)
        pltpu.async_copy(h.at[sidx1], rows1, sem1)
        pltpu.make_async_copy(h.at[sidx0], rows0, sem0).wait()
        pltpu.sync_copy(rows0, acc.at[didx0], add=True)

        @pl.when(j < LAST)
        def _():
            fire_idx(c0 + 2 * C, sidx0, didx0, semi0)

        pltpu.make_async_copy(h.at[sidx1], rows1, sem1).wait()
        pltpu.sync_copy(rows1, acc.at[didx1], add=True)

        @pl.when(j < LAST)
        def _():
            fire_idx(c0 + 3 * C, sidx1, didx1, semi1)
            wait_idx(sidx0, didx0, semi0)
            pltpu.async_copy(h.at[sidx0], rows0, sem0)


def _make_agg(W):
    return pl.kernel(
        _agg_body,
        out_type=jax.ShapeDtypeStruct((NC, N, W), jnp.float32),
        mesh=_mesh,
        scratch_types=[
            pltpu.VMEM_SHARED((N, W), jnp.float32),
            pltpu.VMEM((C,), jnp.int32),
            pltpu.VMEM((C,), jnp.int32),
            pltpu.VMEM((C, W), jnp.float32),
            pltpu.VMEM((C,), jnp.int32),
            pltpu.VMEM((C,), jnp.int32),
            pltpu.VMEM((C, W), jnp.float32),
            pltpu.VMEM((TAIL,), jnp.int32),
            pltpu.VMEM((TAIL,), jnp.int32),
            pltpu.VMEM((TAIL, W), jnp.float32),
            pltpu.SemaphoreType.DMA,
            pltpu.SemaphoreType.DMA,
            pltpu.SemaphoreType.DMA,
            pltpu.SemaphoreType.DMA,
        ],
    )


_agg = _make_agg(D)


def _deg_body(dst, zrow, ones_h, deg_o,
              acc, didx0, didx1, ones_v, didx_t, semi0, semi1):
    cid = lax.axis_index("c")
    sid = lax.axis_index("s")
    wid = cid * NS + sid
    _zero_acc(zrow, acc, sid)
    pltpu.sync_copy(ones_h, ones_v)
    plsc.subcore_barrier()
    base = wid * EPW
    pltpu.async_copy(dst.at[pl.ds(base, C)], didx0, semi0)
    LAST = FULL // 2 - 1

    @pl.loop(0, FULL // 2)
    def _(j):
        c0 = base + (2 * j) * C
        pltpu.async_copy(dst.at[pl.ds(c0 + C, C)], didx1, semi1)
        pltpu.make_async_copy(dst.at[pl.ds(base, C)], didx0, semi0).wait()
        pltpu.sync_copy(ones_v, acc.at[didx0], add=True)

        @pl.when(j < LAST)
        def _():
            pltpu.async_copy(dst.at[pl.ds(c0 + 2 * C, C)], didx0, semi0)

        pltpu.make_async_copy(dst.at[pl.ds(base, C)], didx1, semi1).wait()
        pltpu.sync_copy(ones_v, acc.at[didx1], add=True)

    pltpu.sync_copy(dst.at[pl.ds(base + FULL * C, TAIL)], didx_t)
    pltpu.sync_copy(ones_v.at[pl.ds(0, TAIL)], acc.at[didx_t], add=True)

    plsc.subcore_barrier()
    _drain_acc(acc, deg_o, cid, sid)


_deg = pl.kernel(
    _deg_body,
    out_type=jax.ShapeDtypeStruct((NC, N, D), jnp.float32),
    mesh=_mesh,
    scratch_types=[
        pltpu.VMEM_SHARED((N, D), jnp.float32),
        pltpu.VMEM((C,), jnp.int32),
        pltpu.VMEM((C,), jnp.int32),
        pltpu.VMEM((C, D), jnp.float32),
        pltpu.VMEM((TAIL,), jnp.int32),
        pltpu.SemaphoreType.DMA,
        pltpu.SemaphoreType.DMA,
    ],
)

RB = 1000
DEGW = 16


def _tc_layer_body(x_ref, m_ref, d_ref, ws_ref, wn_ref, b_ref, o_ref, *,
                   relu):
    msum = m_ref[0] + m_ref[1]
    deg = jnp.maximum(d_ref[0, :, 0] + d_ref[1, :, 0], 1.0)
    agg = lax.dot(msum, wn_ref[...], precision=lax.Precision.HIGHEST)
    slf = lax.dot(x_ref[...], ws_ref[...], precision=lax.Precision.HIGHEST)
    out = slf + agg / deg[:, None] + b_ref[...]
    o_ref[...] = jnp.maximum(out, 0.0) if relu else out


def _make_tc_layer(relu):
    return pl.pallas_call(
        functools.partial(_tc_layer_body, relu=relu),
        grid=(N // RB,),
        in_specs=[
            pl.BlockSpec((RB, D), lambda i: (i, 0)),
            pl.BlockSpec((NC, RB, D), lambda i: (0, i, 0)),
            pl.BlockSpec((NC, RB, DEGW), lambda i: (0, i, 0)),
            pl.BlockSpec((D, D), lambda i: (0, 0)),
            pl.BlockSpec((D, D), lambda i: (0, 0)),
            pl.BlockSpec((1, D), lambda i: (0, 0)),
        ],
        out_specs=pl.BlockSpec((RB, D), lambda i: (i, 0)),
        out_shape=jax.ShapeDtypeStruct((N, D), jnp.float32),
    )


_tc_layer1 = _make_tc_layer(relu=True)
_tc_layer2 = _make_tc_layer(relu=False)


def kernel(x, edge_index, W_self1, W_neigh1, b1, W_self2, W_neigh2, b2):
    src = edge_index[0]
    dst = edge_index[1]
    zrow = jnp.zeros((RPT, D), jnp.float32)
    ones_h = jnp.ones((C, D), jnp.float32)
    degp = _deg(dst, zrow, ones_h)
    degc = lax.slice(degp, (0, 0, 0), (NC, N, DEGW))
    zrow2, _ = lax.optimization_barrier((zrow, degp))
    msum1 = _agg(x, src, dst, zrow2)
    h1 = _tc_layer1(x, msum1, degc, W_self1, W_neigh1, b1.reshape(1, D))
    msum2 = _agg(h1, src, dst, zrow)
    return _tc_layer2(h1, msum2, degc, W_self2, W_neigh2, b2.reshape(1, D))

# --- scband reference (transcript-rebuilt; emitter-appended) ---
"""Pipeline reference for scband-sage-11398843203861 (READ-ONLY COPY).

The authoritative reference and input builder live on the scoring server;
editing this copy changes nothing except your own understanding.
"""

import jax, jax.numpy as jnp
import numpy as np

N_NODES = 10000
N_EDGES = 320000
D_IN = 128
D_HID = 128
D_OUT = 128


def setup_inputs(seed: int = 0) -> dict:
    key = jax.random.key(seed)
    ks = jax.random.split(key, 9)
    x = jax.random.normal(ks[0], (N_NODES, D_IN), dtype=jnp.float32)
    edge_index = jax.random.randint(ks[1], (2, N_EDGES), 0, N_NODES, dtype=jnp.int32)
    s_in = 1.0 / np.sqrt(D_IN)
    s_hid = 1.0 / np.sqrt(D_HID)
    W_self1 = jax.random.normal(ks[2], (D_IN, D_HID), dtype=jnp.float32) * s_in
    W_neigh1 = jax.random.normal(ks[3], (D_IN, D_HID), dtype=jnp.float32) * s_in
    b1 = jnp.zeros((D_HID,), dtype=jnp.float32)
    W_self2 = jax.random.normal(ks[4], (D_HID, D_OUT), dtype=jnp.float32) * s_hid
    W_neigh2 = jax.random.normal(ks[5], (D_HID, D_OUT), dtype=jnp.float32) * s_hid
    b2 = jnp.zeros((D_OUT,), dtype=jnp.float32)
    return {"x": x, "edge_index": edge_index, "W_self1": W_self1, "W_neigh1": W_neigh1, "b1": b1, "W_self2": W_self2, "W_neigh2": W_neigh2, "b2": b2}


def _sage_conv(h, src, dst, num_nodes, W_self, W_neigh, b):
    # DGL SAGEConv with aggregator_type='mean':
    # h_neigh = mean over incoming edges of h[src]; rst = fc_self(h) + fc_neigh(h_neigh) + bias
    msg = h[src]  # gather: [E, d]
    msum = jax.ops.segment_sum(msg, dst, num_segments=num_nodes)  # scatter-add
    deg = jax.ops.segment_sum(jnp.ones((src.shape[0],), dtype=h.dtype), dst, num_segments=num_nodes)
    h_neigh = msum / jnp.maximum(deg, 1.0)[:, None]
    return h @ W_self + h_neigh @ W_neigh + b


def reference(x, edge_index, W_self1, W_neigh1, b1, W_self2, W_neigh2, b2):
    src = edge_index[0]
    dst = edge_index[1]
    n = x.shape[0]
    h = _sage_conv(x, src, dst, n, W_self1, W_neigh1, b1)
    h = jax.nn.relu(h)
    out = _sage_conv(h, src, dst, n, W_self2, W_neigh2, b2)
    return out

if __name__ == "__main__":
    import jax
    _d = setup_inputs()
    print(jax.jit(kernel)(*tuple(_d.values())))

</pallas_src>

<mosaic_0001>
#map = affine_map<(d0, d1) -> (0, 0)>
#map1 = affine_map<(d0, d1) -> (0)>
#map2 = affine_map<(d0, d1) -> (0, 0, 0)>
module attributes {stable_mosaic.version = 14 : i64} {
  func.func @_agg_body(%arg0: i32, %arg1: i32, %arg2: memref<10000x128xf32, #tpu.memory_space<hbm>>, %arg3: memref<320000xi32, #tpu.memory_space<hbm>>, %arg4: memref<320000xi32, #tpu.memory_space<hbm>>, %arg5: memref<624x128xf32, #tpu.memory_space<hbm>>, %arg6: memref<2x10000x128xf32, #tpu.memory_space<hbm>>, %arg7: memref<10000x128xf32, #tpu.memory_space<vmem_shared>>, %arg8: memref<128xi32, #tpu.memory_space<vmem>>, %arg9: memref<128xi32, #tpu.memory_space<vmem>>, %arg10: memref<128x128xf32, #tpu.memory_space<vmem>>, %arg11: memref<128xi32, #tpu.memory_space<vmem>>, %arg12: memref<128xi32, #tpu.memory_space<vmem>>, %arg13: memref<128x128xf32, #tpu.memory_space<vmem>>, %arg14: memref<16xi32, #tpu.memory_space<vmem>>, %arg15: memref<16xi32, #tpu.memory_space<vmem>>, %arg16: memref<16x128xf32, #tpu.memory_space<vmem>>, %arg17: memref<!tpu.dma_semaphore, #tpu.memory_space<semaphore_mem>>, %arg18: memref<!tpu.dma_semaphore, #tpu.memory_space<semaphore_mem>>, %arg19: memref<!tpu.dma_semaphore, #tpu.memory_space<semaphore_mem>>, %arg20: memref<!tpu.dma_semaphore, #tpu.memory_space<semaphore_mem>>) attributes {dimension_semantics = [#tpu.dimension_semantics<core_parallel>, #tpu.dimension_semantics<subcore_parallel>], iteration_bounds = array<i64: 2, 16>, scalar_prefetch = 0 : i64, scratch_operands = 14 : i64, tpu.core_type = #tpu.core_type<sc_vector_subcore>, window_params = [{transform_indices = #map}, {transform_indices = #map1}, {transform_indices = #map1}, {transform_indices = #map}, {transform_indices = #map2}]} {
    %mul3A = arith.constant 16 : i32
    %mul3A_0 = arith.muli %arg0, %mul3A : i32
    %add3A = arith.addi %mul3A_0, %arg1 : i32
    %mul3A_1 = arith.constant 624 : i32
    %mul3A_2 = arith.muli %arg1, %mul3A_1 : i32
    "tpu.region"() ({
      %run_scoped3A = tpu.sem_alloc : memref<!tpu.dma_semaphore, #tpu.memory_space<semaphore_mem>>
      %dma_start3A_44 = arith.constant 0 : i32
      %dma_start3A_45 = tpu.memref_slice %arg7[%mul3A_2, %dma_start3A_44] : memref<10000x128xf32, #tpu.memory_space<vmem_shared>> -> memref<624x128xf32, #tpu.memory_space<vmem_shared>>
      tpu.enqueue_dma source(%arg5 : memref<624x128xf32, #tpu.memory_space<hbm>>) target(%dma_start3A_45 : memref<624x128xf32, #tpu.memory_space<vmem_shared>>) target_semaphore(%run_scoped3A : memref<!tpu.dma_semaphore, #tpu.memory_space<semaphore_mem>>)
      %dma_wait3A_46 = arith.constant 0 : i32
      %dma_wait3A_47 = tpu.memref_slice %arg7[%mul3A_2, %dma_wait3A_46] : memref<10000x128xf32, #tpu.memory_space<vmem_shared>> -> memref<624x128xf32, #tpu.memory_space<vmem_shared>>
      tpu.wait_dma2 semaphore(%run_scoped3A : memref<!tpu.dma_semaphore, #tpu.memory_space<semaphore_mem>>) src(%arg5 : memref<624x128xf32, #tpu.memory_space<hbm>>) dst(%dma_wait3A_47 : memref<624x128xf32, #tpu.memory_space<vmem_shared>>)
      tpu.yield
    }) : () -> ()
    %eq3A = arith.constant 0 : i32
    %eq3A_3 = arith.cmpi eq, %arg1, %eq3A : i32
    %convert_element_type3A = arith.extui %eq3A_3 : i1 to i32
    %cond3A = arith.constant 0 : i32
    %cond3A_4 = arith.cmpi ne, %convert_element_type3A, %cond3A : i32
    scf.if %cond3A_4 {
      "tpu.region"() ({
        %run_scoped3A = tpu.sem_alloc : memref<!tpu.dma_semaphore, #tpu.memory_space<semaphore_mem>>
        %dma_start3A_44 = arith.constant 9984 : i32
        %dma_start3A_45 = arith.constant 0 : i32
        %dma_start3A_46 = tpu.memref_slice %arg7[%dma_start3A_44, %dma_start3A_45] : memref<10000x128xf32, #tpu.memory_space<vmem_shared>> -> memref<16x128xf32, #tpu.memory_space<vmem_shared>>
        %dma_start3A_47 = arith.constant 0 : i32
        %dma_start3A_48 = arith.constant 0 : i32
        %dma_start3A_49 = tpu.memref_slice %arg5[%dma_start3A_47, %dma_start3A_48] : memref<624x128xf32, #tpu.memory_space<hbm>> -> memref<16x128xf32, #tpu.memory_space<hbm>>
        tpu.enqueue_dma source(%dma_start3A_49 : memref<16x128xf32, #tpu.memory_space<hbm>>) target(%dma_start3A_46 : memref<16x128xf32, #tpu.memory_space<vmem_shared>>) target_semaphore(%run_scoped3A : memref<!tpu.dma_semaphore, #tpu.memory_space<semaphore_mem>>)
        %dma_wait3A_50 = arith.constant 9984 : i32
        %dma_wait3A_51 = arith.constant 0 : i32
        %dma_wait3A_52 = tpu.memref_slice %arg7[%dma_wait3A_50, %dma_wait3A_51] : memref<10000x128xf32, #tpu.memory_space<vmem_shared>> -> memref<16x128xf32, #tpu.memory_space<vmem_shared>>
        %dma_wait3A_53 = arith.constant 0 : i32
        %dma_wait3A_54 = arith.constant 0 : i32
        %dma_wait3A_55 = tpu.memref_slice %arg5[%dma_wait3A_53, %dma_wait3A_54] : memref<624x128xf32, #tpu.memory_space<hbm>> -> memref<16x128xf32, #tpu.memory_space<hbm>>
        tpu.wait_dma2 semaphore(%run_scoped3A : memref<!tpu.dma_semaphore, #tpu.memory_space<semaphore_mem>>) src(%dma_wait3A_55 : memref<16x128xf32, #tpu.memory_space<hbm>>) dst(%dma_wait3A_52 : memref<16x128xf32, #tpu.memory_space<vmem_shared>>)
        tpu.yield
      }) : () -> ()
    } else {
    }
    %barrier3A = arith.constant 0 : index
    tpu.barrier barrier_id(%barrier3A)
    %mul3A_5 = arith.constant 10000 : i32
    %mul3A_6 = arith.muli %add3A, %mul3A_5 : i32
    %dma_start3A = tpu.memref_slice %arg3[%mul3A_6] : memref<320000xi32, #tpu.memory_space<hbm>> -> memref<128xi32, #tpu.memory_space<hbm>>
    %dma_start3A_7 = tpu.memref_slice %arg3[%mul3A_6] : memref<320000xi32, #tpu.memory_space<hbm>> -> memref<128xi32, #tpu.memory_space<hbm>>
    tpu.enqueue_dma source(%dma_start3A_7 : memref<128xi32, #tpu.memory_space<hbm>>) target(%arg8 : memref<128xi32, #tpu.memory_space<vmem>>) target_semaphore(%arg19 : memref<!tpu.dma_semaphore, #tpu.memory_space<semaphore_mem>>)
    %dma_start3A_8 = tpu.memref_slice %arg4[%mul3A_6] : memref<320000xi32, #tpu.memory_space<hbm>> -> memref<128xi32, #tpu.memory_space<hbm>>
    %dma_start3A_9 = tpu.memref_slice %arg4[%mul3A_6] : memref<320000xi32, #tpu.memory_space<hbm>> -> memref<128xi32, #tpu.memory_space<hbm>>
    tpu.enqueue_dma source(%dma_start3A_9 : memref<128xi32, #tpu.memory_space<hbm>>) target(%arg9 : memref<128xi32, #tpu.memory_space<vmem>>) target_semaphore(%arg19 : memref<!tpu.dma_semaphore, #tpu.memory_space<semaphore_mem>>)
    %dma_wait3A = tpu.memref_slice %arg3[%mul3A_6] : memref<320000xi32, #tpu.memory_space<hbm>> -> memref<128xi32, #tpu.memory_space<hbm>>
    %dma_wait3A_10 = tpu.memref_slice %arg3[%mul3A_6] : memref<320000xi32, #tpu.memory_space<hbm>> -> memref<128xi32, #tpu.memory_space<hbm>>
    tpu.wait_dma2 semaphore(%arg19 : memref<!tpu.dma_semaphore, #tpu.memory_space<semaphore_mem>>) src(%dma_wait3A_10 : memref<128xi32, #tpu.memory_space<hbm>>) dst(%arg8 : memref<128xi32, #tpu.memory_space<vmem>>)
    %dma_wait3A_11 = tpu.memref_slice %arg4[%mul3A_6] : memref<320000xi32, #tpu.memory_space<hbm>> -> memref<128xi32, #tpu.memory_space<hbm>>
    %dma_wait3A_12 = tpu.memref_slice %arg4[%mul3A_6] : memref<320000xi32, #tpu.memory_space<hbm>> -> memref<128xi32, #tpu.memory_space<hbm>>
    tpu.wait_dma2 semaphore(%arg19 : memref<!tpu.dma_semaphore, #tpu.memory_space<semaphore_mem>>) src(%dma_wait3A_12 : memref<128xi32, #tpu.memory_space<hbm>>) dst(%arg9 : memref<128xi32, #tpu.memory_space<vmem>>)
    %dma_start3A_13 = arith.constant 0 : i32
    %dma_start3A_14 = arith.constant 0 : i32
    %dma_start3A_15 = tpu.memref_slice %arg2[%dma_start3A_13, %dma_start3A_14] : memref<10000x128xf32, #tpu.memory_space<hbm>> -> memref<10000x128xf32, #tpu.memory_space<hbm>>
    tpu.enqueue_indirect_dma source(%dma_start3A_15 : memref<10000x128xf32, #tpu.memory_space<hbm>>) target(%arg10 : memref<128x128xf32, #tpu.memory_space<vmem>>) offsets(%arg8 : memref<128xi32, #tpu.memory_space<vmem>>) semaphore(%arg17 : memref<!tpu.dma_semaphore, #tpu.memory_space<semaphore_mem>>)
    %add3A_16 = arith.constant 128 : i32
    %add3A_17 = arith.addi %mul3A_6, %add3A_16 : i32
    %dma_start3A_18 = tpu.memref_slice %arg3[%add3A_17] : memref<320000xi32, #tpu.memory_space<hbm>> -> memref<128xi32, #tpu.memory_space<hbm>>
    %dma_start3A_19 = tpu.memref_slice %arg3[%add3A_17] : memref<320000xi32, #tpu.memory_space<hbm>> -> memref<128xi32, #tpu.memory_space<hbm>>
    tpu.enqueue_dma source(%dma_start3A_19 : memref<128xi32, #tpu.memory_space<hbm>>) target(%arg11 : memref<128xi32, #tpu.memory_space<vmem>>) target_semaphore(%arg20 : memref<!tpu.dma_semaphore, #tpu.memory_space<semaphore_mem>>)
    %dma_start3A_20 = tpu.memref_slice %arg4[%add3A_17] : memref<320000xi32, #tpu.memory_space<hbm>> -> memref<128xi32, #tpu.memory_space<hbm>>
    %dma_start3A_21 = tpu.memref_slice %arg4[%add3A_17] : memref<320000xi32, #tpu.memory_space<hbm>> -> memref<128xi32, #tpu.memory_space<hbm>>
    tpu.enqueue_dma source(%dma_start3A_21 : memref<128xi32, #tpu.memory_space<hbm>>) target(%arg12 : memref<128xi32, #tpu.memory_space<vmem>>) target_semaphore(%arg20 : memref<!tpu.dma_semaphore, #tpu.memory_space<semaphore_mem>>)
    %scan3A = arith.constant 0 : i32
    %scan3A_22 = arith.constant 39 : i32
    %scan3A_23 = arith.addi %scan3A, %scan3A_22 : i32
    %scan3A_24 = arith.constant 1 : i32
    scf.for %scan3A_44 = %scan3A to %scan3A_23 step %scan3A_24  : i32 {
      %mul3A_45 = arith.constant 1 : i32
      %mul3A_46 = arith.muli %scan3A_44, %mul3A_45 : i32
      %add3A_47 = arith.constant 0 : i32
      %add3A_48 = arith.addi %add3A_47, %mul3A_46 : i32
      %mul3A_49 = arith.constant 2 : i32
      %mul3A_50 = arith.muli %mul3A_49, %add3A_48 : i32
      %mul3A_51 = arith.constant 128 : i32
      %mul3A_52 = arith.muli %mul3A_50, %mul3A_51 : i32
      %add3A_53 = arith.addi %mul3A_6, %mul3A_52 : i32
      %dma_wait3A_54 = tpu.memref_slice %arg3[%mul3A_6] : memref<320000xi32, #tpu.memory_space<hbm>> -> memref<128xi32, #tpu.memory_space<hbm>>
      %dma_wait3A_55 = tpu.memref_slice %arg3[%mul3A_6] : memref<320000xi32, #tpu.memory_space<hbm>> -> memref<128xi32, #tpu.memory_space<hbm>>
      tpu.wait_dma2 semaphore(%arg20 : memref<!tpu.dma_semaphore, #tpu.memory_space<semaphore_mem>>) src(%dma_wait3A_55 : memref<128xi32, #tpu.memory_space<hbm>>) dst(%arg11 : memref<128xi32, #tpu.memory_space<vmem>>)
      %dma_wait3A_56 = tpu.memref_slice %arg4[%mul3A_6] : memref<320000xi32, #tpu.memory_space<hbm>> -> memref<128xi32, #tpu.memory_space<hbm>>
      %dma_wait3A_57 = tpu.memref_slice %arg4[%mul3A_6] : memref<320000xi32, #tpu.memory_space<hbm>> -> memref<128xi32, #tpu.memory_space<hbm>>
      tpu.wait_dma2 semaphore(%arg20 : memref<!tpu.dma_semaphore, #tpu.memory_space<semaphore_mem>>) src(%dma_wait3A_57 : memref<128xi32, #tpu.memory_space<hbm>>) dst(%arg12 : memref<128xi32, #tpu.memory_space<vmem>>)
      %dma_start3A_58 = arith.constant 0 : i32
      %dma_start3A_59 = arith.constant 0 : i32
      %dma_start3A_60 = tpu.memref_slice %arg2[%dma_start3A_58, %dma_start3A_59] : memref<10000x128xf32, #tpu.memory_space<hbm>> -> memref<10000x128xf32, #tpu.memory_space<hbm>>
      tpu.enqueue_indirect_dma source(%dma_start3A_60 : memref<10000x128xf32, #tpu.memory_space<hbm>>) target(%arg13 : memref<128x128xf32, #tpu.memory_space<vmem>>) offsets(%arg11 : memref<128xi32, #tpu.memory_space<vmem>>) semaphore(%arg18 : memref<!tpu.dma_semaphore, #tpu.memory_space<semaphore_mem>>)
      %dma_wait3A_61 = arith.constant 0 : i32
      %dma_wait3A_62 = arith.constant 0 : i32
      %dma_wait3A_63 = tpu.memref_slice %arg2[%dma_wait3A_61, %dma_wait3A_62] : memref<10000x128xf32, #tpu.memory_space<hbm>> -> memref<10000x128xf32, #tpu.memory_space<hbm>>
      tpu.wait_indirect_dma semaphore(%arg17 : memref<!tpu.dma_semaphore, #tpu.memory_space<semaphore_mem>>) src(%dma_wait3A_63 : memref<10000x128xf32, #tpu.memory_space<hbm>>) dst(%arg10 : memref<128x128xf32, #tpu.memory_space<vmem>>)
      "tpu.region"() ({
        %run_scoped3A = tpu.sem_alloc : memref<!tpu.dma_semaphore, #tpu.memory_space<semaphore_mem>>
        %dma_start3A_76 = arith.constant 0 : i32
        %dma_start3A_77 = arith.constant 0 : i32
        %dma_start3A_78 = tpu.memref_slice %arg7[%dma_start3A_76, %dma_start3A_77] : memref<10000x128xf32, #tpu.memory_space<vmem_shared>> -> memref<10000x128xf32, #tpu.memory_space<vmem_shared>>
        tpu.enqueue_indirect_dma source(%arg10 : memref<128x128xf32, #tpu.memory_space<vmem>>) target(%dma_start3A_78 : memref<10000x128xf32, #tpu.memory_space<vmem_shared>>) offsets(%arg9 : memref<128xi32, #tpu.memory_space<vmem>>) semaphore(%run_scoped3A : memref<!tpu.dma_semaphore, #tpu.memory_space<semaphore_mem>>) {add = true}
        %dma_wait3A_79 = arith.constant 0 : i32
        %dma_wait3A_80 = arith.constant 0 : i32
        %dma_wait3A_81 = tpu.memref_slice %arg7[%dma_wait3A_79, %dma_wait3A_80] : memref<10000x128xf32, #tpu.memory_space<vmem_shared>> -> memref<10000x128xf32, #tpu.memory_space<vmem_shared>>
        tpu.wait_indirect_dma semaphore(%run_scoped3A : memref<!tpu.dma_semaphore, #tpu.memory_space<semaphore_mem>>) src(%arg10 : memref<128x128xf32, #tpu.memory_space<vmem>>) dst(%dma_wait3A_81 : memref<10000x128xf32, #tpu.memory_space<vmem_shared>>)
        tpu.yield
      }) : () -> ()
      %lt3A = arith.constant 38 : i32
      %lt3A_64 = arith.cmpi slt, %add3A_48, %lt3A : i32
      %convert_element_type3A_65 = arith.extui %lt3A_64 : i1 to i32
      %cond3A_66 = arith.constant 0 : i32
      %cond3A_67 = arith.cmpi ne, %convert_element_type3A_65, %cond3A_66 : i32
      scf.if %cond3A_67 {
        %add3A_76 = arith.constant 256 : i32
        %add3A_77 = arith.addi %add3A_53, %add3A_76 : i32
        %dma_start3A_78 = tpu.memref_slice %arg3[%add3A_77] : memref<320000xi32, #tpu.memory_space<hbm>> -> memref<128xi32, #tpu.memory_space<hbm>>
        %dma_start3A_79 = tpu.memref_slice %arg3[%add3A_77] : memref<320000xi32, #tpu.memory_space<hbm>> -> memref<128xi32, #tpu.memory_space<hbm>>
        tpu.enqueue_dma source(%dma_start3A_79 : memref<128xi32, #tpu.memory_space<hbm>>) target(%arg8 : memref<128xi32, #tpu.memory_space<vmem>>) target_semaphore(%arg19 : memref<!tpu.dma_semaphore, #tpu.memory_space<semaphore_mem>>)
        %dma_start3A_80 = tpu.memref_slice %arg4[%add3A_77] : memref<320000xi32, #tpu.memory_space<hbm>> -> memref<128xi32, #tpu.memory_space<hbm>>
        %dma_start3A_81 = tpu.memref_slice %arg4[%add3A_77] : memref<320000xi32, #tpu.memory_space<hbm>> -> memref<128xi32, #tpu.memory_space<hbm>>
        tpu.enqueue_dma source(%dma_start3A_81 : memref<128xi32, #tpu.memory_space<hbm>>) target(%arg9 : memref<128xi32, #tpu.memory_space<vmem>>) target_semaphore(%arg19 : memref<!tpu.dma_semaphore, #tpu.memory_space<semaphore_mem>>)
      } else {
      }
      %dma_wait3A_68 = arith.constant 0 : i32
      %dma_wait3A_69 = arith.constant 0 : i32
      %dma_wait3A_70 = tpu.memref_slice %arg2[%dma_wait3A_68, %dma_wait3A_69] : memref<10000x128xf32, #tpu.memory_space<hbm>> -> memref<10000x128xf32, #tpu.memory_space<hbm>>
      tpu.wait_indirect_dma semaphore(%arg18 : memref<!tpu.dma_semaphore, #tpu.memory_space<semaphore_mem>>) src(%dma_wait3A_70 : memref<10000x128xf32, #tpu.memory_space<hbm>>) dst(%arg13 : memref<128x128xf32, #tpu.memory_space<vmem>>)
      "tpu.region"() ({
        %run_scoped3A = tpu.sem_alloc : memref<!tpu.dma_semaphore, #tpu.memory_space<semaphore_mem>>
        %dma_start3A_76 = arith.constant 0 : i32
        %dma_start3A_77 = arith.constant 0 : i32
        %dma_start3A_78 = tpu.memref_slice %arg7[%dma_start3A_76, %dma_start3A_77] : memref<10000x128xf32, #tpu.memory_space<vmem_shared>> -> memref<10000x128xf32, #tpu.memory_space<vmem_shared>>
        tpu.enqueue_indirect_dma source(%arg13 : memref<128x128xf32, #tpu.memory_space<vmem>>) target(%dma_start3A_78 : memref<10000x128xf32, #tpu.memory_space<vmem_shared>>) offsets(%arg12 : memref<128xi32, #tpu.memory_space<vmem>>) semaphore(%run_scoped3A : memref<!tpu.dma_semaphore, #tpu.memory_space<semaphore_mem>>) {add = true}
        %dma_wait3A_79 = arith.constant 0 : i32
        %dma_wait3A_80 = arith.constant 0 : i32
        %dma_wait3A_81 = tpu.memref_slice %arg7[%dma_wait3A_79, %dma_wait3A_80] : memref<10000x128xf32, #tpu.memory_space<vmem_shared>> -> memref<10000x128xf32, #tpu.memory_space<vmem_shared>>
        tpu.wait_indirect_dma semaphore(%run_scoped3A : memref<!tpu.dma_semaphore, #tpu.memory_space<semaphore_mem>>) src(%arg13 : memref<128x128xf32, #tpu.memory_space<vmem>>) dst(%dma_wait3A_81 : memref<10000x128xf32, #tpu.memory_space<vmem_shared>>)
        tpu.yield
      }) : () -> ()
      %lt3A_71 = arith.constant 38 : i32
      %lt3A_72 = arith.cmpi slt, %add3A_48, %lt3A_71 : i32
      %convert_element_type3A_73 = arith.extui %lt3A_72 : i1 to i32
      %cond3A_74 = arith.constant 0 : i32
      %cond3A_75 = arith.cmpi ne, %convert_element_type3A_73, %cond3A_74 : i32
      scf.if %cond3A_75 {
        %add3A_76 = arith.constant 384 : i32
        %add3A_77 = arith.addi %add3A_53, %add3A_76 : i32
        %dma_start3A_78 = tpu.memref_slice %arg3[%add3A_77] : memref<320000xi32, #tpu.memory_space<hbm>> -> memref<128xi32, #tpu.memory_space<hbm>>
        %dma_start3A_79 = tpu.memref_slice %arg3[%add3A_77] : memref<320000xi32, #tpu.memory_space<hbm>> -> memref<128xi32, #tpu.memory_space<hbm>>
        tpu.enqueue_dma source(%dma_start3A_79 : memref<128xi32, #tpu.memory_space<hbm>>) target(%arg11 : memref<128xi32, #tpu.memory_space<vmem>>) target_semaphore(%arg20 : memref<!tpu.dma_semaphore, #tpu.memory_space<semaphore_mem>>)
        %dma_start3A_80 = tpu.memref_slice %arg4[%add3A_77] : memref<320000xi32, #tpu.memory_space<hbm>> -> memref<128xi32, #tpu.memory_space<hbm>>
        %dma_start3A_81 = tpu.memref_slice %arg4[%add3A_77] : memref<320000xi32, #tpu.memory_space<hbm>> -> memref<128xi32, #tpu.memory_space<hbm>>
        tpu.enqueue_dma source(%dma_start3A_81 : memref<128xi32, #tpu.memory_space<hbm>>) target(%arg12 : memref<128xi32, #tpu.memory_space<vmem>>) target_semaphore(%arg20 : memref<!tpu.dma_semaphore, #tpu.memory_space<semaphore_mem>>)
        %dma_wait3A_82 = tpu.memref_slice %arg3[%mul3A_6] : memref<320000xi32, #tpu.memory_space<hbm>> -> memref<128xi32, #tpu.memory_space<hbm>>
        %dma_wait3A_83 = tpu.memref_slice %arg3[%mul3A_6] : memref<320000xi32, #tpu.memory_space<hbm>> -> memref<128xi32, #tpu.memory_space<hbm>>
        tpu.wait_dma2 semaphore(%arg19 : memref<!tpu.dma_semaphore, #tpu.memory_space<semaphore_mem>>) src(%dma_wait3A_83 : memref<128xi32, #tpu.memory_space<hbm>>) dst(%arg8 : memref<128xi32, #tpu.memory_space<vmem>>)
        %dma_wait3A_84 = tpu.memref_slice %arg4[%mul3A_6] : memref<320000xi32, #tpu.memory_space<hbm>> -> memref<128xi32, #tpu.memory_space<hbm>>
        %dma_wait3A_85 = tpu.memref_slice %arg4[%mul3A_6] : memref<320000xi32, #tpu.memory_space<hbm>> -> memref<128xi32, #tpu.memory_space<hbm>>
        tpu.wait_dma2 semaphore(%arg19 : memref<!tpu.dma_semaphore, #tpu.memory_space<semaphore_mem>>) src(%dma_wait3A_85 : memref<128xi32, #tpu.memory_space<hbm>>) dst(%arg9 : memref<128xi32, #tpu.memory_space<vmem>>)
        %dma_start3A_86 = arith.constant 0 : i32
        %dma_start3A_87 = arith.constant 0 : i32
        %dma_start3A_88 = tpu.memref_slice %arg2[%dma_start3A_86, %dma_start3A_87] : memref<10000x128xf32, #tpu.memory_space<hbm>> -> memref<10000x128xf32, #tpu.memory_space<hbm>>
        tpu.enqueue_indirect_dma source(%dma_start3A_88 : memref<10000x128xf32, #tpu.memory_space<hbm>>) target(%arg10 : memref<128x128xf32, #tpu.memory_space<vmem>>) offsets(%arg8 : memref<128xi32, #tpu.memory_space<vmem>>) semaphore(%arg17 : memref<!tpu.dma_semaphore, #tpu.memory_space<semaphore_mem>>)
      } else {
      }
    }
    %scan3A_25 = arith.constant 39 : i32
    %add3A_26 = arith.constant 9984 : i32
    %add3A_27 = arith.addi %mul3A_6, %add3A_26 : i32
    "tpu.region"() ({
      %run_scoped3A = tpu.sem_alloc : memref<!tpu.dma_semaphore, #tpu.memory_space<semaphore_mem>>
      %dma_start3A_44 = tpu.memref_slice %arg3[%add3A_27] : memref<320000xi32, #tpu.memory_space<hbm>> -> memref<16xi32, #tpu.memory_space<hbm>>
      %dma_start3A_45 = tpu.memref_slice %arg3[%add3A_27] : memref<320000xi32, #tpu.memory_space<hbm>> -> memref<16xi32, #tpu.memory_space<hbm>>
      tpu.enqueue_dma source(%dma_start3A_45 : memref<16xi32, #tpu.memory_space<hbm>>) target(%arg14 : memref<16xi32, #tpu.memory_space<vmem>>) target_semaphore(%run_scoped3A : memref<!tpu.dma_semaphore, #tpu.memory_space<semaphore_mem>>)
      %dma_wait3A_46 = tpu.memref_slice %arg3[%add3A_27] : memref<320000xi32, #tpu.memory_space<hbm>> -> memref<16xi32, #tpu.memory_space<hbm>>
      %dma_wait3A_47 = tpu.memref_slice %arg3[%add3A_27] : memref<320000xi32, #tpu.memory_space<hbm>> -> memref<16xi32, #tpu.memory_space<hbm>>
      tpu.wait_dma2 semaphore(%run_scoped3A : memref<!tpu.dma_semaphore, #tpu.memory_space<semaphore_mem>>) src(%dma_wait3A_47 : memref<16xi32, #tpu.memory_space<hbm>>) dst(%arg14 : memref<16xi32, #tpu.memory_space<vmem>>)
      tpu.yield
    }) : () -> ()
    "tpu.region"() ({
      %run_scoped3A = tpu.sem_alloc : memref<!tpu.dma_semaphore, #tpu.memory_space<semaphore_mem>>
      %dma_start3A_44 = tpu.memref_slice %arg4[%add3A_27] : memref<320000xi32, #tpu.memory_space<hbm>> -> memref<16xi32, #tpu.memory_space<hbm>>
      %dma_start3A_45 = tpu.memref_slice %arg4[%add3A_27] : memref<320000xi32, #tpu.memory_space<hbm>> -> memref<16xi32, #tpu.memory_space<hbm>>
      tpu.enqueue_dma source(%dma_start3A_45 : memref<16xi32, #tpu.memory_space<hbm>>) target(%arg15 : memref<16xi32, #tpu.memory_space<vmem>>) target_semaphore(%run_scoped3A : memref<!tpu.dma_semaphore, #tpu.memory_space<semaphore_mem>>)
      %dma_wait3A_46 = tpu.memref_slice %arg4[%add3A_27] : memref<320000xi32, #tpu.memory_space<hbm>> -> memref<16xi32, #tpu.memory_space<hbm>>
      %dma_wait3A_47 = tpu.memref_slice %arg4[%add3A_27] : memref<320000xi32, #tpu.memory_space<hbm>> -> memref<16xi32, #tpu.memory_space<hbm>>
      tpu.wait_dma2 semaphore(%run_scoped3A : memref<!tpu.dma_semaphore, #tpu.memory_space<semaphore_mem>>) src(%dma_wait3A_47 : memref<16xi32, #tpu.memory_space<hbm>>) dst(%arg15 : memref<16xi32, #tpu.memory_space<vmem>>)
      tpu.yield
    }) : () -> ()
    %dma_start3A_28 = arith.constant 0 : i32
    %dma_start3A_29 = arith.constant 0 : i32
    %dma_start3A_30 = tpu.memref_slice %arg2[%dma_start3A_28, %dma_start3A_29] : memref<10000x128xf32, #tpu.memory_space<hbm>> -> memref<10000x128xf32, #tpu.memory_space<hbm>>
    tpu.enqueue_indirect_dma source(%dma_start3A_30 : memref<10000x128xf32, #tpu.memory_space<hbm>>) target(%arg16 : memref<16x128xf32, #tpu.memory_space<vmem>>) offsets(%arg14 : memref<16xi32, #tpu.memory_space<vmem>>) semaphore(%arg17 : memref<!tpu.dma_semaphore, #tpu.memory_space<semaphore_mem>>)
    %dma_wait3A_31 = arith.constant 0 : i32
    %dma_wait3A_32 = arith.constant 0 : i32
    %dma_wait3A_33 = tpu.memref_slice %arg2[%dma_wait3A_31, %dma_wait3A_32] : memref<10000x128xf32, #tpu.memory_space<hbm>> -> memref<10000x128xf32, #tpu.memory_space<hbm>>
    tpu.wait_indirect_dma semaphore(%arg17 : memref<!tpu.dma_semaphore, #tpu.memory_space<semaphore_mem>>) src(%dma_wait3A_33 : memref<10000x128xf32, #tpu.memory_space<hbm>>) dst(%arg16 : memref<16x128xf32, #tpu.memory_space<vmem>>)
    "tpu.region"() ({
      %run_scoped3A = tpu.sem_alloc : memref<!tpu.dma_semaphore, #tpu.memory_space<semaphore_mem>>
      %dma_start3A_44 = arith.constant 0 : i32
      %dma_start3A_45 = arith.constant 0 : i32
      %dma_start3A_46 = tpu.memref_slice %arg7[%dma_start3A_44, %dma_start3A_45] : memref<10000x128xf32, #tpu.memory_space<vmem_shared>> -> memref<10000x128xf32, #tpu.memory_space<vmem_shared>>
      tpu.enqueue_indirect_dma source(%arg16 : memref<16x128xf32, #tpu.memory_space<vmem>>) target(%dma_start3A_46 : memref<10000x128xf32, #tpu.memory_space<vmem_shared>>) offsets(%arg15 : memref<16xi32, #tpu.memory_space<vmem>>) semaphore(%run_scoped3A : memref<!tpu.dma_semaphore, #tpu.memory_space<semaphore_mem>>) {add = true}
      %dma_wait3A_47 = arith.constant 0 : i32
      %dma_wait3A_48 = arith.constant 0 : i32
      %dma_wait3A_49 = tpu.memref_slice %arg7[%dma_wait3A_47, %dma_wait3A_48] : memref<10000x128xf32, #tpu.memory_space<vmem_shared>> -> memref<10000x128xf32, #tpu.memory_space<vmem_shared>>
      tpu.wait_indirect_dma semaphore(%run_scoped3A : memref<!tpu.dma_semaphore, #tpu.memory_space<semaphore_mem>>) src(%arg16 : memref<16x128xf32, #tpu.memory_space<vmem>>) dst(%dma_wait3A_49 : memref<10000x128xf32, #tpu.memory_space<vmem_shared>>)
      tpu.yield
    }) : () -> ()
    %barrier3A_34 = arith.constant 0 : index
    tpu.barrier barrier_id(%barrier3A_34)
    %mul3A_35 = arith.constant 624 : i32
    %mul3A_36 = arith.muli %arg1, %mul3A_35 : i32
    %mul3A_37 = arith.constant 624 : i32
    %mul3A_38 = arith.muli %arg1, %mul3A_37 : i32
    "tpu.region"() ({
      %run_scoped3A = tpu.sem_alloc : memref<!tpu.dma_semaphore, #tpu.memory_space<semaphore_mem>>
      %dma_start3A_44 = arith.constant 0 : i32
      %dma_start3A_45 = tpu.memref_slice %arg6[%arg0, %mul3A_38, %dma_start3A_44] : memref<2x10000x128xf32, #tpu.memory_space<hbm>> -> memref<1x624x128xf32, #tpu.memory_space<hbm>>
      %dma_start3A_46 = tpu.memref_squeeze %dma_start3A_45 : memref<1x624x128xf32, #tpu.memory_space<hbm>> -> memref<624x128xf32, #tpu.memory_space<hbm>>
      %dma_start3A_47 = arith.constant 0 : i32
      %dma_start3A_48 = tpu.memref_slice %arg7[%mul3A_36, %dma_start3A_47] : memref<10000x128xf32, #tpu.memory_space<vmem_shared>> -> memref<624x128xf32, #tpu.memory_space<vmem_shared>>
      tpu.enqueue_dma source(%dma_start3A_48 : memref<624x128xf32, #tpu.memory_space<vmem_shared>>) target(%dma_start3A_46 : memref<624x128xf32, #tpu.memory_space<hbm>>) target_semaphore(%run_scoped3A : memref<!tpu.dma_semaphore, #tpu.memory_space<semaphore_mem>>)
      %dma_wait3A_49 = arith.constant 0 : i32
      %dma_wait3A_50 = tpu.memref_slice %arg6[%arg0, %mul3A_38, %dma_wait3A_49] : memref<2x10000x128xf32, #tpu.memory_space<hbm>> -> memref<1x624x128xf32, #tpu.memory_space<hbm>>
      %dma_wait3A_51 = tpu.memref_squeeze %dma_wait3A_50 : memref<1x624x128xf32, #tpu.memory_space<hbm>> -> memref<624x128xf32, #tpu.memory_space<hbm>>
      %dma_wait3A_52 = arith.constant 0 : i32
      %dma_wait3A_53 = tpu.memref_slice %arg7[%mul3A_36, %dma_wait3A_52] : memref<10000x128xf32, #tpu.memory_space<vmem_shared>> -> memref<624x128xf32, #tpu.memory_space<vmem_shared>>
      tpu.wait_dma2 semaphore(%run_scoped3A : memref<!tpu.dma_semaphore, #tpu.memory_space<semaphore_mem>>) src(%dma_wait3A_53 : memref<624x128xf32, #tpu.memory_space<vmem_shared>>) dst(%dma_wait3A_51 : memref<624x128xf32, #tpu.memory_space<hbm>>)
      tpu.yield
    }) : () -> ()
    %eq3A_39 = arith.constant 0 : i32
    %eq3A_40 = arith.cmpi eq, %arg1, %eq3A_39 : i32
    %convert_element_type3A_41 = arith.extui %eq3A_40 : i1 to i32
    %cond3A_42 = arith.constant 0 : i32
    %cond3A_43 = arith.cmpi ne, %convert_element_type3A_41, %cond3A_42 : i32
    scf.if %cond3A_43 {
      "tpu.region"() ({
        %run_scoped3A = tpu.sem_alloc : memref<!tpu.dma_semaphore, #tpu.memory_space<semaphore_mem>>
        %dma_start3A_44 = arith.constant 9984 : i32
        %dma_start3A_45 = arith.constant 0 : i32
        %dma_start3A_46 = tpu.memref_slice %arg6[%arg0, %dma_start3A_44, %dma_start3A_45] : memref<2x10000x128xf32, #tpu.memory_space<hbm>> -> memref<1x16x128xf32, #tpu.memory_space<hbm>>
        %dma_start3A_47 = tpu.memref_squeeze %dma_start3A_46 : memref<1x16x128xf32, #tpu.memory_space<hbm>> -> memref<16x128xf32, #tpu.memory_space<hbm>>
        %dma_start3A_48 = arith.constant 9984 : i32
        %dma_start3A_49 = arith.constant 0 : i32
        %dma_start3A_50 = tpu.memref_slice %arg7[%dma_start3A_48, %dma_start3A_49] : memref<10000x128xf32, #tpu.memory_space<vmem_shared>> -> memref<16x128xf32, #tpu.memory_space<vmem_shared>>
        tpu.enqueue_dma source(%dma_start3A_50 : memref<16x128xf32, #tpu.memory_space<vmem_shared>>) target(%dma_start3A_47 : memref<16x128xf32, #tpu.memory_space<hbm>>) target_semaphore(%run_scoped3A : memref<!tpu.dma_semaphore, #tpu.memory_space<semaphore_mem>>)
        %dma_wait3A_51 = arith.constant 9984 : i32
        %dma_wait3A_52 = arith.constant 0 : i32
        %dma_wait3A_53 = tpu.memref_slice %arg6[%arg0, %dma_wait3A_51, %dma_wait3A_52] : memref<2x10000x128xf32, #tpu.memory_space<hbm>> -> memref<1x16x128xf32, #tpu.memory_space<hbm>>
        %dma_wait3A_54 = tpu.memref_squeeze %dma_wait3A_53 : memref<1x16x128xf32, #tpu.memory_space<hbm>> -> memref<16x128xf32, #tpu.memory_space<hbm>>
        %dma_wait3A_55 = arith.constant 9984 : i32
        %dma_wait3A_56 = arith.constant 0 : i32
        %dma_wait3A_57 = tpu.memref_slice %arg7[%dma_wait3A_55, %dma_wait3A_56] : memref<10000x128xf32, #tpu.memory_space<vmem_shared>> -> memref<16x128xf32, #tpu.memory_space<vmem_shared>>
        tpu.wait_dma2 semaphore(%run_scoped3A : memref<!tpu.dma_semaphore, #tpu.memory_space<semaphore_mem>>) src(%dma_wait3A_57 : memref<16x128xf32, #tpu.memory_space<vmem_shared>>) dst(%dma_wait3A_54 : memref<16x128xf32, #tpu.memory_space<hbm>>)
        tpu.yield
      }) : () -> ()
    } else {
    }
    return
  }
}

#map = affine_map<(d0, d1) -> (0)>
#map1 = affine_map<(d0, d1) -> (0, 0)>
#map2 = affine_map<(d0, d1) -> (0, 0, 0)>
module attributes {stable_mosaic.version = 14 : i64} {
  func.func @_deg_body(%arg0: i32, %arg1: i32, %arg2: memref<320000xi32, #tpu.memory_space<hbm>>, %arg3: memref<624x128xf32, #tpu.memory_space<hbm>>, %arg4: memref<128x128xf32, #tpu.memory_space<hbm>>, %arg5: memref<2x10000x128xf32, #tpu.memory_space<hbm>>, %arg6: memref<10000x128xf32, #tpu.memory_space<vmem_shared>>, %arg7: memref<128xi32, #tpu.memory_space<vmem>>, %arg8: memref<128xi32, #tpu.memory_space<vmem>>, %arg9: memref<128x128xf32, #tpu.memory_space<vmem>>, %arg10: memref<16xi32, #tpu.memory_space<vmem>>, %arg11: memref<!tpu.dma_semaphore, #tpu.memory_space<semaphore_mem>>, %arg12: memref<!tpu.dma_semaphore, #tpu.memory_space<semaphore_mem>>) attributes {dimension_semantics = [#tpu.dimension_semantics<core_parallel>, #tpu.dimension_semantics<subcore_parallel>], iteration_bounds = array<i64: 2, 16>, scalar_prefetch = 0 : i64, scratch_operands = 7 : i64, tpu.core_type = #tpu.core_type<sc_vector_subcore>, window_params = [{transform_indices = #map}, {transform_indices = #map1}, {transform_indices = #map1}, {transform_indices = #map2}]} {
    %mul3A = arith.constant 16 : i32
    %mul3A_0 = arith.muli %arg0, %mul3A : i32
    %add3A = arith.addi %mul3A_0, %arg1 : i32
    %mul3A_1 = arith.constant 624 : i32
    %mul3A_2 = arith.muli %arg1, %mul3A_1 : i32
    "tpu.region"() ({
      %run_scoped3A = tpu.sem_alloc : memref<!tpu.dma_semaphore, #tpu.memory_space<semaphore_mem>>
      %dma_start3A_24 = arith.constant 0 : i32
      %dma_start3A_25 = tpu.memref_slice %arg6[%mul3A_2, %dma_start3A_24] : memref<10000x128xf32, #tpu.memory_space<vmem_shared>> -> memref<624x128xf32, #tpu.memory_space<vmem_shared>>
      tpu.enqueue_dma source(%arg3 : memref<624x128xf32, #tpu.memory_space<hbm>>) target(%dma_start3A_25 : memref<624x128xf32, #tpu.memory_space<vmem_shared>>) target_semaphore(%run_scoped3A : memref<!tpu.dma_semaphore, #tpu.memory_space<semaphore_mem>>)
      %dma_wait3A = arith.constant 0 : i32
      %dma_wait3A_26 = tpu.memref_slice %arg6[%mul3A_2, %dma_wait3A] : memref<10000x128xf32, #tpu.memory_space<vmem_shared>> -> memref<624x128xf32, #tpu.memory_space<vmem_shared>>
      tpu.wait_dma2 semaphore(%run_scoped3A : memref<!tpu.dma_semaphore, #tpu.memory_space<semaphore_mem>>) src(%arg3 : memref<624x128xf32, #tpu.memory_space<hbm>>) dst(%dma_wait3A_26 : memref<624x128xf32, #tpu.memory_space<vmem_shared>>)
      tpu.yield
    }) : () -> ()
    %eq3A = arith.constant 0 : i32
    %eq3A_3 = arith.cmpi eq, %arg1, %eq3A : i32
    %convert_element_type3A = arith.extui %eq3A_3 : i1 to i32
    %cond3A = arith.constant 0 : i32
    %cond3A_4 = arith.cmpi ne, %convert_element_type3A, %cond3A : i32
    scf.if %cond3A_4 {
      "tpu.region"() ({
        %run_scoped3A = tpu.sem_alloc : memref<!tpu.dma_semaphore, #tpu.memory_space<semaphore_mem>>
        %dma_start3A_24 = arith.constant 9984 : i32
        %dma_start3A_25 = arith.constant 0 : i32
        %dma_start3A_26 = tpu.memref_slice %arg6[%dma_start3A_24, %dma_start3A_25] : memref<10000x128xf32, #tpu.memory_space<vmem_shared>> -> memref<16x128xf32, #tpu.memory_space<vmem_shared>>
        %dma_start3A_27 = arith.constant 0 : i32
        %dma_start3A_28 = arith.constant 0 : i32
        %dma_start3A_29 = tpu.memref_slice %arg3[%dma_start3A_27, %dma_start3A_28] : memref<624x128xf32, #tpu.memory_space<hbm>> -> memref<16x128xf32, #tpu.memory_space<hbm>>
        tpu.enqueue_dma source(%dma_start3A_29 : memref<16x128xf32, #tpu.memory_space<hbm>>) target(%dma_start3A_26 : memref<16x128xf32, #tpu.memory_space<vmem_shared>>) target_semaphore(%run_scoped3A : memref<!tpu.dma_semaphore, #tpu.memory_space<semaphore_mem>>)
        %dma_wait3A = arith.constant 9984 : i32
        %dma_wait3A_30 = arith.constant 0 : i32
        %dma_wait3A_31 = tpu.memref_slice %arg6[%dma_wait3A, %dma_wait3A_30] : memref<10000x128xf32, #tpu.memory_space<vmem_shared>> -> memref<16x128xf32, #tpu.memory_space<vmem_shared>>
        %dma_wait3A_32 = arith.constant 0 : i32
        %dma_wait3A_33 = arith.constant 0 : i32
        %dma_wait3A_34 = tpu.memref_slice %arg3[%dma_wait3A_32, %dma_wait3A_33] : memref<624x128xf32, #tpu.memory_space<hbm>> -> memref<16x128xf32, #tpu.memory_space<hbm>>
        tpu.wait_dma2 semaphore(%run_scoped3A : memref<!tpu.dma_semaphore, #tpu.memory_space<semaphore_mem>>) src(%dma_wait3A_34 : memref<16x128xf32, #tpu.memory_space<hbm>>) dst(%dma_wait3A_31 : memref<16x128xf32, #tpu.memory_space<vmem_shared>>)
        tpu.yield
      }) : () -> ()
    } else {
    }
    "tpu.region"() ({
      %run_scoped3A = tpu.sem_alloc : memref<!tpu.dma_semaphore, #tpu.memory_space<semaphore_mem>>
      tpu.enqueue_dma source(%arg4 : memref<128x128xf32, #tpu.memory_space<hbm>>) target(%arg9 : memref<128x128xf32, #tpu.memory_space<vmem>>) target_semaphore(%run_scoped3A : memref<!tpu.dma_semaphore, #tpu.memory_space<semaphore_mem>>)
      tpu.wait_dma2 semaphore(%run_scoped3A : memref<!tpu.dma_semaphore, #tpu.memory_space<semaphore_mem>>) src(%arg4 : memref<128x128xf32, #tpu.memory_space<hbm>>) dst(%arg9 : memref<128x128xf32, #tpu.memory_space<vmem>>)
      tpu.yield
    }) : () -> ()
    %barrier3A = arith.constant 0 : index
    tpu.barrier barrier_id(%barrier3A)
    %mul3A_5 = arith.constant 10000 : i32
    %mul3A_6 = arith.muli %add3A, %mul3A_5 : i32
    %dma_start3A = tpu.memref_slice %arg2[%mul3A_6] : memref<320000xi32, #tpu.memory_space<hbm>> -> memref<128xi32, #tpu.memory_space<hbm>>
    %dma_start3A_7 = tpu.memref_slice %arg2[%mul3A_6] : memref<320000xi32, #tpu.memory_space<hbm>> -> memref<128xi32, #tpu.memory_space<hbm>>
    tpu.enqueue_dma source(%dma_start3A_7 : memref<128xi32, #tpu.memory_space<hbm>>) target(%arg7 : memref<128xi32, #tpu.memory_space<vmem>>) target_semaphore(%arg11 : memref<!tpu.dma_semaphore, #tpu.memory_space<semaphore_mem>>)
    %scan3A = arith.constant 0 : i32
    %scan3A_8 = arith.constant 39 : i32
    %scan3A_9 = arith.addi %scan3A, %scan3A_8 : i32
    %scan3A_10 = arith.constant 1 : i32
    scf.for %scan3A_24 = %scan3A to %scan3A_9 step %scan3A_10  : i32 {
      %mul3A_25 = arith.constant 1 : i32
      %mul3A_26 = arith.muli %scan3A_24, %mul3A_25 : i32
      %add3A_27 = arith.constant 0 : i32
      %add3A_28 = arith.addi %add3A_27, %mul3A_26 : i32
      %mul3A_29 = arith.constant 2 : i32
      %mul3A_30 = arith.muli %mul3A_29, %add3A_28 : i32
      %mul3A_31 = arith.constant 128 : i32
      %mul3A_32 = arith.muli %mul3A_30, %mul3A_31 : i32
      %add3A_33 = arith.addi %mul3A_6, %mul3A_32 : i32
      %add3A_34 = arith.constant 128 : i32
      %add3A_35 = arith.addi %add3A_33, %add3A_34 : i32
      %dma_start3A_36 = tpu.memref_slice %arg2[%add3A_35] : memref<320000xi32, #tpu.memory_space<hbm>> -> memref<128xi32, #tpu.memory_space<hbm>>
      %dma_start3A_37 = tpu.memref_slice %arg2[%add3A_35] : memref<320000xi32, #tpu.memory_space<hbm>> -> memref<128xi32, #tpu.memory_space<hbm>>
      tpu.enqueue_dma source(%dma_start3A_37 : memref<128xi32, #tpu.memory_space<hbm>>) target(%arg8 : memref<128xi32, #tpu.memory_space<vmem>>) target_semaphore(%arg12 : memref<!tpu.dma_semaphore, #tpu.memory_space<semaphore_mem>>)
      %dma_wait3A = tpu.memref_slice %arg2[%mul3A_6] : memref<320000xi32, #tpu.memory_space<hbm>> -> memref<128xi32, #tpu.memory_space<hbm>>
      %dma_wait3A_38 = tpu.memref_slice %arg2[%mul3A_6] : memref<320000xi32, #tpu.memory_space<hbm>> -> memref<128xi32, #tpu.memory_space<hbm>>
      tpu.wait_dma2 semaphore(%arg11 : memref<!tpu.dma_semaphore, #tpu.memory_space<semaphore_mem>>) src(%dma_wait3A_38 : memref<128xi32, #tpu.memory_space<hbm>>) dst(%arg7 : memref<128xi32, #tpu.memory_space<vmem>>)
      "tpu.region"() ({
        %run_scoped3A = tpu.sem_alloc : memref<!tpu.dma_semaphore, #tpu.memory_space<semaphore_mem>>
        %dma_start3A_45 = arith.constant 0 : i32
        %dma_start3A_46 = arith.constant 0 : i32
        %dma_start3A_47 = tpu.memref_slice %arg6[%dma_start3A_45, %dma_start3A_46] : memref<10000x128xf32, #tpu.memory_space<vmem_shared>> -> memref<10000x128xf32, #tpu.memory_space<vmem_shared>>
        tpu.enqueue_indirect_dma source(%arg9 : memref<128x128xf32, #tpu.memory_space<vmem>>) target(%dma_start3A_47 : memref<10000x128xf32, #tpu.memory_space<vmem_shared>>) offsets(%arg7 : memref<128xi32, #tpu.memory_space<vmem>>) semaphore(%run_scoped3A : memref<!tpu.dma_semaphore, #tpu.memory_space<semaphore_mem>>) {add = true}
        %dma_wait3A_48 = arith.constant 0 : i32
        %dma_wait3A_49 = arith.constant 0 : i32
        %dma_wait3A_50 = tpu.memref_slice %arg6[%dma_wait3A_48, %dma_wait3A_49] : memref<10000x128xf32, #tpu.memory_space<vmem_shared>> -> memref<10000x128xf32, #tpu.memory_space<vmem_shared>>
        tpu.wait_indirect_dma semaphore(%run_scoped3A : memref<!tpu.dma_semaphore, #tpu.memory_space<semaphore_mem>>) src(%arg9 : memref<128x128xf32, #tpu.memory_space<vmem>>) dst(%dma_wait3A_50 : memref<10000x128xf32, #tpu.memory_space<vmem_shared>>)
        tpu.yield
      }) : () -> ()
      %lt3A = arith.constant 38 : i32
      %lt3A_39 = arith.cmpi slt, %add3A_28, %lt3A : i32
      %convert_element_type3A_40 = arith.extui %lt3A_39 : i1 to i32
      %cond3A_41 = arith.constant 0 : i32
      %cond3A_42 = arith.cmpi ne, %convert_element_type3A_40, %cond3A_41 : i32
      scf.if %cond3A_42 {
        %add3A_45 = arith.constant 256 : i32
        %add3A_46 = arith.addi %add3A_33, %add3A_45 : i32
        %dma_start3A_47 = tpu.memref_slice %arg2[%add3A_46] : memref<320000xi32, #tpu.memory_space<hbm>> -> memref<128xi32, #tpu.memory_space<hbm>>
        %dma_start3A_48 = tpu.memref_slice %arg2[%add3A_46] : memref<320000xi32, #tpu.memory_space<hbm>> -> memref<128xi32, #tpu.memory_space<hbm>>
        tpu.enqueue_dma source(%dma_start3A_48 : memref<128xi32, #tpu.memory_space<hbm>>) target(%arg7 : memref<128xi32, #tpu.memory_space<vmem>>) target_semaphore(%arg11 : memref<!tpu.dma_semaphore, #tpu.memory_space<semaphore_mem>>)
      } else {
      }
      %dma_wait3A_43 = tpu.memref_slice %arg2[%mul3A_6] : memref<320000xi32, #tpu.memory_space<hbm>> -> memref<128xi32, #tpu.memory_space<hbm>>
      %dma_wait3A_44 = tpu.memref_slice %arg2[%mul3A_6] : memref<320000xi32, #tpu.memory_space<hbm>> -> memref<128xi32, #tpu.memory_space<hbm>>
      tpu.wait_dma2 semaphore(%arg12 : memref<!tpu.dma_semaphore, #tpu.memory_space<semaphore_mem>>) src(%dma_wait3A_44 : memref<128xi32, #tpu.memory_space<hbm>>) dst(%arg8 : memref<128xi32, #tpu.memory_space<vmem>>)
      "tpu.region"() ({
        %run_scoped3A = tpu.sem_alloc : memref<!tpu.dma_semaphore, #tpu.memory_space<semaphore_mem>>
        %dma_start3A_45 = arith.constant 0 : i32
        %dma_start3A_46 = arith.constant 0 : i32
        %dma_start3A_47 = tpu.memref_slice %arg6[%dma_start3A_45, %dma_start3A_46] : memref<10000x128xf32, #tpu.memory_space<vmem_shared>> -> memref<10000x128xf32, #tpu.memory_space<vmem_shared>>
        tpu.enqueue_indirect_dma source(%arg9 : memref<128x128xf32, #tpu.memory_space<vmem>>) target(%dma_start3A_47 : memref<10000x128xf32, #tpu.memory_space<vmem_shared>>) offsets(%arg8 : memref<128xi32, #tpu.memory_space<vmem>>) semaphore(%run_scoped3A : memref<!tpu.dma_semaphore, #tpu.memory_space<semaphore_mem>>) {add = true}
        %dma_wait3A_48 = arith.constant 0 : i32
        %dma_wait3A_49 = arith.constant 0 : i32
        %dma_wait3A_50 = tpu.memref_slice %arg6[%dma_wait3A_48, %dma_wait3A_49] : memref<10000x128xf32, #tpu.memory_space<vmem_shared>> -> memref<10000x128xf32, #tpu.memory_space<vmem_shared>>
        tpu.wait_indirect_dma semaphore(%run_scoped3A : memref<!tpu.dma_semaphore, #tpu.memory_space<semaphore_mem>>) src(%arg9 : memref<128x128xf32, #tpu.memory_space<vmem>>) dst(%dma_wait3A_50 : memref<10000x128xf32, #tpu.memory_space<vmem_shared>>)
        tpu.yield
      }) : () -> ()
    }
    %scan3A_11 = arith.constant 39 : i32
    %add3A_12 = arith.constant 9984 : i32
    %add3A_13 = arith.addi %mul3A_6, %add3A_12 : i32
    "tpu.region"() ({
      %run_scoped3A = tpu.sem_alloc : memref<!tpu.dma_semaphore, #tpu.memory_space<semaphore_mem>>
      %dma_start3A_24 = tpu.memref_slice %arg2[%add3A_13] : memref<320000xi32, #tpu.memory_space<hbm>> -> memref<16xi32, #tpu.memory_space<hbm>>
      %dma_start3A_25 = tpu.memref_slice %arg2[%add3A_13] : memref<320000xi32, #tpu.memory_space<hbm>> -> memref<16xi32, #tpu.memory_space<hbm>>
      tpu.enqueue_dma source(%dma_start3A_25 : memref<16xi32, #tpu.memory_space<hbm>>) target(%arg10 : memref<16xi32, #tpu.memory_space<vmem>>) target_semaphore(%run_scoped3A : memref<!tpu.dma_semaphore, #tpu.memory_space<semaphore_mem>>)
      %dma_wait3A = tpu.memref_slice %arg2[%add3A_13] : memref<320000xi32, #tpu.memory_space<hbm>> -> memref<16xi32, #tpu.memory_space<hbm>>
      %dma_wait3A_26 = tpu.memref_slice %arg2[%add3A_13] : memref<320000xi32, #tpu.memory_space<hbm>> -> memref<16xi32, #tpu.memory_space<hbm>>
      tpu.wait_dma2 semaphore(%run_scoped3A : memref<!tpu.dma_semaphore, #tpu.memory_space<semaphore_mem>>) src(%dma_wait3A_26 : memref<16xi32, #tpu.memory_space<hbm>>) dst(%arg10 : memref<16xi32, #tpu.memory_space<vmem>>)
      tpu.yield
    }) : () -> ()
    "tpu.region"() ({
      %run_scoped3A = tpu.sem_alloc : memref<!tpu.dma_semaphore, #tpu.memory_space<semaphore_mem>>
      %dma_start3A_24 = arith.constant 0 : i32
      %dma_start3A_25 = arith.constant 0 : i32
      %dma_start3A_26 = tpu.memref_slice %arg9[%dma_start3A_24, %dma_start3A_25] : memref<128x128xf32, #tpu.memory_space<vmem>> -> memref<16x128xf32, #tpu.memory_space<vmem>>
      %dma_start3A_27 = arith.constant 0 : i32
      %dma_start3A_28 = arith.constant 0 : i32
      %dma_start3A_29 = tpu.memref_slice %arg6[%dma_start3A_27, %dma_start3A_28] : memref<10000x128xf32, #tpu.memory_space<vmem_shared>> -> memref<10000x128xf32, #tpu.memory_space<vmem_shared>>
      tpu.enqueue_indirect_dma source(%dma_start3A_26 : memref<16x128xf32, #tpu.memory_space<vmem>>) target(%dma_start3A_29 : memref<10000x128xf32, #tpu.memory_space<vmem_shared>>) offsets(%arg10 : memref<16xi32, #tpu.memory_space<vmem>>) semaphore(%run_scoped3A : memref<!tpu.dma_semaphore, #tpu.memory_space<semaphore_mem>>) {add = true}
      %dma_wait3A = arith.constant 0 : i32
      %dma_wait3A_30 = arith.constant 0 : i32
      %dma_wait3A_31 = tpu.memref_slice %arg9[%dma_wait3A, %dma_wait3A_30] : memref<128x128xf32, #tpu.memory_space<vmem>> -> memref<16x128xf32, #tpu.memory_space<vmem>>
      %dma_wait3A_32 = arith.constant 0 : i32
      %dma_wait3A_33 = arith.constant 0 : i32
      %dma_wait3A_34 = tpu.memref_slice %arg6[%dma_wait3A_32, %dma_wait3A_33] : memref<10000x128xf32, #tpu.memory_space<vmem_shared>> -> memref<10000x128xf32, #tpu.memory_space<vmem_shared>>
      tpu.wait_indirect_dma semaphore(%run_scoped3A : memref<!tpu.dma_semaphore, #tpu.memory_space<semaphore_mem>>) src(%dma_wait3A_31 : memref<16x128xf32, #tpu.memory_space<vmem>>) dst(%dma_wait3A_34 : memref<10000x128xf32, #tpu.memory_space<vmem_shared>>)
      tpu.yield
    }) : () -> ()
    %barrier3A_14 = arith.constant 0 : index
    tpu.barrier barrier_id(%barrier3A_14)
    %mul3A_15 = arith.constant 624 : i32
    %mul3A_16 = arith.muli %arg1, %mul3A_15 : i32
    %mul3A_17 = arith.constant 624 : i32
    %mul3A_18 = arith.muli %arg1, %mul3A_17 : i32
    "tpu.region"() ({
      %run_scoped3A = tpu.sem_alloc : memref<!tpu.dma_semaphore, #tpu.memory_space<semaphore_mem>>
      %dma_start3A_24 = arith.constant 0 : i32
      %dma_start3A_25 = tpu.memref_slice %arg5[%arg0, %mul3A_18, %dma_start3A_24] : memref<2x10000x128xf32, #tpu.memory_space<hbm>> -> memref<1x624x128xf32, #tpu.memory_space<hbm>>
      %dma_start3A_26 = tpu.memref_squeeze %dma_start3A_25 : memref<1x624x128xf32, #tpu.memory_space<hbm>> -> memref<624x128xf32, #tpu.memory_space<hbm>>
      %dma_start3A_27 = arith.constant 0 : i32
      %dma_start3A_28 = tpu.memref_slice %arg6[%mul3A_16, %dma_start3A_27] : memref<10000x128xf32, #tpu.memory_space<vmem_shared>> -> memref<624x128xf32, #tpu.memory_space<vmem_shared>>
      tpu.enqueue_dma source(%dma_start3A_28 : memref<624x128xf32, #tpu.memory_space<vmem_shared>>) target(%dma_start3A_26 : memref<624x128xf32, #tpu.memory_space<hbm>>) target_semaphore(%run_scoped3A : memref<!tpu.dma_semaphore, #tpu.memory_space<semaphore_mem>>)
      %dma_wait3A = arith.constant 0 : i32
      %dma_wait3A_29 = tpu.memref_slice %arg5[%arg0, %mul3A_18, %dma_wait3A] : memref<2x10000x128xf32, #tpu.memory_space<hbm>> -> memref<1x624x128xf32, #tpu.memory_space<hbm>>
      %dma_wait3A_30 = tpu.memref_squeeze %dma_wait3A_29 : memref<1x624x128xf32, #tpu.memory_space<hbm>> -> memref<624x128xf32, #tpu.memory_space<hbm>>
      %dma_wait3A_31 = arith.constant 0 : i32
      %dma_wait3A_32 = tpu.memref_slice %arg6[%mul3A_16, %dma_wait3A_31] : memref<10000x128xf32, #tpu.memory_space<vmem_shared>> -> memref<624x128xf32, #tpu.memory_space<vmem_shared>>
      tpu.wait_dma2 semaphore(%run_scoped3A : memref<!tpu.dma_semaphore, #tpu.memory_space<semaphore_mem>>) src(%dma_wait3A_32 : memref<624x128xf32, #tpu.memory_space<vmem_shared>>) dst(%dma_wait3A_30 : memref<624x128xf32, #tpu.memory_space<hbm>>)
      tpu.yield
    }) : () -> ()
    %eq3A_19 = arith.constant 0 : i32
    %eq3A_20 = arith.cmpi eq, %arg1, %eq3A_19 : i32
    %convert_element_type3A_21 = arith.extui %eq3A_20 : i1 to i32
    %cond3A_22 = arith.constant 0 : i32
    %cond3A_23 = arith.cmpi ne, %convert_element_type3A_21, %cond3A_22 : i32
    scf.if %cond3A_23 {
      "tpu.region"() ({
        %run_scoped3A = tpu.sem_alloc : memref<!tpu.dma_semaphore, #tpu.memory_space<semaphore_mem>>
        %dma_start3A_24 = arith.constant 9984 : i32
        %dma_start3A_25 = arith.constant 0 : i32
        %dma_start3A_26 = tpu.memref_slice %arg5[%arg0, %dma_start3A_24, %dma_start3A_25] : memref<2x10000x128xf32, #tpu.memory_space<hbm>> -> memref<1x16x128xf32, #tpu.memory_space<hbm>>
        %dma_start3A_27 = tpu.memref_squeeze %dma_start3A_26 : memref<1x16x128xf32, #tpu.memory_space<hbm>> -> memref<16x128xf32, #tpu.memory_space<hbm>>
        %dma_start3A_28 = arith.constant 9984 : i32
        %dma_start3A_29 = arith.constant 0 : i32
        %dma_start3A_30 = tpu.memref_slice %arg6[%dma_start3A_28, %dma_start3A_29] : memref<10000x128xf32, #tpu.memory_space<vmem_shared>> -> memref<16x128xf32, #tpu.memory_space<vmem_shared>>
        tpu.enqueue_dma source(%dma_start3A_30 : memref<16x128xf32, #tpu.memory_space<vmem_shared>>) target(%dma_start3A_27 : memref<16x128xf32, #tpu.memory_space<hbm>>) target_semaphore(%run_scoped3A : memref<!tpu.dma_semaphore, #tpu.memory_space<semaphore_mem>>)
        %dma_wait3A = arith.constant 9984 : i32
        %dma_wait3A_31 = arith.constant 0 : i32
        %dma_wait3A_32 = tpu.memref_slice %arg5[%arg0, %dma_wait3A, %dma_wait3A_31] : memref<2x10000x128xf32, #tpu.memory_space<hbm>> -> memref<1x16x128xf32, #tpu.memory_space<hbm>>
        %dma_wait3A_33 = tpu.memref_squeeze %dma_wait3A_32 : memref<1x16x128xf32, #tpu.memory_space<hbm>> -> memref<16x128xf32, #tpu.memory_space<hbm>>
        %dma_wait3A_34 = arith.constant 9984 : i32
        %dma_wait3A_35 = arith.constant 0 : i32
        %dma_wait3A_36 = tpu.memref_slice %arg6[%dma_wait3A_34, %dma_wait3A_35] : memref<10000x128xf32, #tpu.memory_space<vmem_shared>> -> memref<16x128xf32, #tpu.memory_space<vmem_shared>>
        tpu.wait_dma2 semaphore(%run_scoped3A : memref<!tpu.dma_semaphore, #tpu.memory_space<semaphore_mem>>) src(%dma_wait3A_36 : memref<16x128xf32, #tpu.memory_space<vmem_shared>>) dst(%dma_wait3A_33 : memref<16x128xf32, #tpu.memory_space<hbm>>)
        tpu.yield
      }) : () -> ()
    } else {
    }
    return
  }
}

#map = affine_map<(d0, d1) -> (0, 0)>
#map1 = affine_map<(d0, d1) -> (0)>
#map2 = affine_map<(d0, d1) -> (0, 0, 0)>
module attributes {stable_mosaic.version = 14 : i64} {
  func.func @_agg_body(%arg0: i32, %arg1: i32, %arg2: memref<10000x128xf32, #tpu.memory_space<hbm>>, %arg3: memref<320000xi32, #tpu.memory_space<hbm>>, %arg4: memref<320000xi32, #tpu.memory_space<hbm>>, %arg5: memref<624x128xf32, #tpu.memory_space<hbm>>, %arg6: memref<2x10000x128xf32, #tpu.memory_space<hbm>>, %arg7: memref<10000x128xf32, #tpu.memory_space<vmem_shared>>, %arg8: memref<128xi32, #tpu.memory_space<vmem>>, %arg9: memref<128xi32, #tpu.memory_space<vmem>>, %arg10: memref<128x128xf32, #tpu.memory_space<vmem>>, %arg11: memref<128xi32, #tpu.memory_space<vmem>>, %arg12: memref<128xi32, #tpu.memory_space<vmem>>, %arg13: memref<128x128xf32, #tpu.memory_space<vmem>>, %arg14: memref<16xi32, #tpu.memory_space<vmem>>, %arg15: memref<16xi32, #tpu.memory_space<vmem>>, %arg16: memref<16x128xf32, #tpu.memory_space<vmem>>, %arg17: memref<!tpu.dma_semaphore, #tpu.memory_space<semaphore_mem>>, %arg18: memref<!tpu.dma_semaphore, #tpu.memory_space<semaphore_mem>>, %arg19: memref<!tpu.dma_semaphore, #tpu.memory_space<semaphore_mem>>, %arg20: memref<!tpu.dma_semaphore, #tpu.memory_space<semaphore_mem>>) attributes {dimension_semantics = [#tpu.dimension_semantics<core_parallel>, #tpu.dimension_semantics<subcore_parallel>], iteration_bounds = array<i64: 2, 16>, scalar_prefetch = 0 : i64, scratch_operands = 14 : i64, tpu.core_type = #tpu.core_type<sc_vector_subcore>, window_params = [{transform_indices = #map}, {transform_indices = #map1}, {transform_indices = #map1}, {transform_indices = #map}, {transform_indices = #map2}]} {
    %mul3A = arith.constant 16 : i32
    %mul3A_0 = arith.muli %arg0, %mul3A : i32
    %add3A = arith.addi %mul3A_0, %arg1 : i32
    %mul3A_1 = arith.constant 624 : i32
    %mul3A_2 = arith.muli %arg1, %mul3A_1 : i32
    "tpu.region"() ({
      %run_scoped3A = tpu.sem_alloc : memref<!tpu.dma_semaphore, #tpu.memory_space<semaphore_mem>>
      %dma_start3A_44 = arith.constant 0 : i32
      %dma_start3A_45 = tpu.memref_slice %arg7[%mul3A_2, %dma_start3A_44] : memref<10000x128xf32, #tpu.memory_space<vmem_shared>> -> memref<624x128xf32, #tpu.memory_space<vmem_shared>>
      tpu.enqueue_dma source(%arg5 : memref<624x128xf32, #tpu.memory_space<hbm>>) target(%dma_start3A_45 : memref<624x128xf32, #tpu.memory_space<vmem_shared>>) target_semaphore(%run_scoped3A : memref<!tpu.dma_semaphore, #tpu.memory_space<semaphore_mem>>)
      %dma_wait3A_46 = arith.constant 0 : i32
      %dma_wait3A_47 = tpu.memref_slice %arg7[%mul3A_2, %dma_wait3A_46] : memref<10000x128xf32, #tpu.memory_space<vmem_shared>> -> memref<624x128xf32, #tpu.memory_space<vmem_shared>>
      tpu.wait_dma2 semaphore(%run_scoped3A : memref<!tpu.dma_semaphore, #tpu.memory_space<semaphore_mem>>) src(%arg5 : memref<624x128xf32, #tpu.memory_space<hbm>>) dst(%dma_wait3A_47 : memref<624x128xf32, #tpu.memory_space<vmem_shared>>)
      tpu.yield
    }) : () -> ()
    %eq3A = arith.constant 0 : i32
    %eq3A_3 = arith.cmpi eq, %arg1, %eq3A : i32
    %convert_element_type3A = arith.extui %eq3A_3 : i1 to i32
    %cond3A = arith.constant 0 : i32
    %cond3A_4 = arith.cmpi ne, %convert_element_type3A, %cond3A : i32
    scf.if %cond3A_4 {
      "tpu.region"() ({
        %run_scoped3A = tpu.sem_alloc : memref<!tpu.dma_semaphore, #tpu.memory_space<semaphore_mem>>
        %dma_start3A_44 = arith.constant 9984 : i32
        %dma_start3A_45 = arith.constant 0 : i32
        %dma_start3A_46 = tpu.memref_slice %arg7[%dma_start3A_44, %dma_start3A_45] : memref<10000x128xf32, #tpu.memory_space<vmem_shared>> -> memref<16x128xf32, #tpu.memory_space<vmem_shared>>
        %dma_start3A_47 = arith.constant 0 : i32
        %dma_start3A_48 = arith.constant 0 : i32
        %dma_start3A_49 = tpu.memref_slice %arg5[%dma_start3A_47, %dma_start3A_48] : memref<624x128xf32, #tpu.memory_space<hbm>> -> memref<16x128xf32, #tpu.memory_space<hbm>>
        tpu.enqueue_dma source(%dma_start3A_49 : memref<16x128xf32, #tpu.memory_space<hbm>>) target(%dma_start3A_46 : memref<16x128xf32, #tpu.memory_space<vmem_shared>>) target_semaphore(%run_scoped3A : memref<!tpu.dma_semaphore, #tpu.memory_space<semaphore_mem>>)
        %dma_wait3A_50 = arith.constant 9984 : i32
        %dma_wait3A_51 = arith.constant 0 : i32
        %dma_wait3A_52 = tpu.memref_slice %arg7[%dma_wait3A_50, %dma_wait3A_51] : memref<10000x128xf32, #tpu.memory_space<vmem_shared>> -> memref<16x128xf32, #tpu.memory_space<vmem_shared>>
        %dma_wait3A_53 = arith.constant 0 : i32
        %dma_wait3A_54 = arith.constant 0 : i32
        %dma_wait3A_55 = tpu.memref_slice %arg5[%dma_wait3A_53, %dma_wait3A_54] : memref<624x128xf32, #tpu.memory_space<hbm>> -> memref<16x128xf32, #tpu.memory_space<hbm>>
        tpu.wait_dma2 semaphore(%run_scoped3A : memref<!tpu.dma_semaphore, #tpu.memory_space<semaphore_mem>>) src(%dma_wait3A_55 : memref<16x128xf32, #tpu.memory_space<hbm>>) dst(%dma_wait3A_52 : memref<16x128xf32, #tpu.memory_space<vmem_shared>>)
        tpu.yield
      }) : () -> ()
    } else {
    }
    %barrier3A = arith.constant 0 : index
    tpu.barrier barrier_id(%barrier3A)
    %mul3A_5 = arith.constant 10000 : i32
    %mul3A_6 = arith.muli %add3A, %mul3A_5 : i32
    %dma_start3A = tpu.memref_slice %arg3[%mul3A_6] : memref<320000xi32, #tpu.memory_space<hbm>> -> memref<128xi32, #tpu.memory_space<hbm>>
    %dma_start3A_7 = tpu.memref_slice %arg3[%mul3A_6] : memref<320000xi32, #tpu.memory_space<hbm>> -> memref<128xi32, #tpu.memory_space<hbm>>
    tpu.enqueue_dma source(%dma_start3A_7 : memref<128xi32, #tpu.memory_space<hbm>>) target(%arg8 : memref<128xi32, #tpu.memory_space<vmem>>) target_semaphore(%arg19 : memref<!tpu.dma_semaphore, #tpu.memory_space<semaphore_mem>>)
    %dma_start3A_8 = tpu.memref_slice %arg4[%mul3A_6] : memref<320000xi32, #tpu.memory_space<hbm>> -> memref<128xi32, #tpu.memory_space<hbm>>
    %dma_start3A_9 = tpu.memref_slice %arg4[%mul3A_6] : memref<320000xi32, #tpu.memory_space<hbm>> -> memref<128xi32, #tpu.memory_space<hbm>>
    tpu.enqueue_dma source(%dma_start3A_9 : memref<128xi32, #tpu.memory_space<hbm>>) target(%arg9 : memref<128xi32, #tpu.memory_space<vmem>>) target_semaphore(%arg19 : memref<!tpu.dma_semaphore, #tpu.memory_space<semaphore_mem>>)
    %dma_wait3A = tpu.memref_slice %arg3[%mul3A_6] : memref<320000xi32, #tpu.memory_space<hbm>> -> memref<128xi32, #tpu.memory_space<hbm>>
    %dma_wait3A_10 = tpu.memref_slice %arg3[%mul3A_6] : memref<320000xi32, #tpu.memory_space<hbm>> -> memref<128xi32, #tpu.memory_space<hbm>>
    tpu.wait_dma2 semaphore(%arg19 : memref<!tpu.dma_semaphore, #tpu.memory_space<semaphore_mem>>) src(%dma_wait3A_10 : memref<128xi32, #tpu.memory_space<hbm>>) dst(%arg8 : memref<128xi32, #tpu.memory_space<vmem>>)
    %dma_wait3A_11 = tpu.memref_slice %arg4[%mul3A_6] : memref<320000xi32, #tpu.memory_space<hbm>> -> memref<128xi32, #tpu.memory_space<hbm>>
    %dma_wait3A_12 = tpu.memref_slice %arg4[%mul3A_6] : memref<320000xi32, #tpu.memory_space<hbm>> -> memref<128xi32, #tpu.memory_space<hbm>>
    tpu.wait_dma2 semaphore(%arg19 : memref<!tpu.dma_semaphore, #tpu.memory_space<semaphore_mem>>) src(%dma_wait3A_12 : memref<128xi32, #tpu.memory_space<hbm>>) dst(%arg9 : memref<128xi32, #tpu.memory_space<vmem>>)
    %dma_start3A_13 = arith.constant 0 : i32
    %dma_start3A_14 = arith.constant 0 : i32
    %dma_start3A_15 = tpu.memref_slice %arg2[%dma_start3A_13, %dma_start3A_14] : memref<10000x128xf32, #tpu.memory_space<hbm>> -> memref<10000x128xf32, #tpu.memory_space<hbm>>
    tpu.enqueue_indirect_dma source(%dma_start3A_15 : memref<10000x128xf32, #tpu.memory_space<hbm>>) target(%arg10 : memref<128x128xf32, #tpu.memory_space<vmem>>) offsets(%arg8 : memref<128xi32, #tpu.memory_space<vmem>>) semaphore(%arg17 : memref<!tpu.dma_semaphore, #tpu.memory_space<semaphore_mem>>)
    %add3A_16 = arith.constant 128 : i32
    %add3A_17 = arith.addi %mul3A_6, %add3A_16 : i32
    %dma_start3A_18 = tpu.memref_slice %arg3[%add3A_17] : memref<320000xi32, #tpu.memory_space<hbm>> -> memref<128xi32, #tpu.memory_space<hbm>>
    %dma_start3A_19 = tpu.memref_slice %arg3[%add3A_17] : memref<320000xi32, #tpu.memory_space<hbm>> -> memref<128xi32, #tpu.memory_space<hbm>>
    tpu.enqueue_dma source(%dma_start3A_19 : memref<128xi32, #tpu.memory_space<hbm>>) target(%arg11 : memref<128xi32, #tpu.memory_space<vmem>>) target_semaphore(%arg20 : memref<!tpu.dma_semaphore, #tpu.memory_space<semaphore_mem>>)
    %dma_start3A_20 = tpu.memref_slice %arg4[%add3A_17] : memref<320000xi32, #tpu.memory_space<hbm>> -> memref<128xi32, #tpu.memory_space<hbm>>
    %dma_start3A_21 = tpu.memref_slice %arg4[%add3A_17] : memref<320000xi32, #tpu.memory_space<hbm>> -> memref<128xi32, #tpu.memory_space<hbm>>
    tpu.enqueue_dma source(%dma_start3A_21 : memref<128xi32, #tpu.memory_space<hbm>>) target(%arg12 : memref<128xi32, #tpu.memory_space<vmem>>) target_semaphore(%arg20 : memref<!tpu.dma_semaphore, #tpu.memory_space<semaphore_mem>>)
    %scan3A = arith.constant 0 : i32
    %scan3A_22 = arith.constant 39 : i32
    %scan3A_23 = arith.addi %scan3A, %scan3A_22 : i32
    %scan3A_24 = arith.constant 1 : i32
    scf.for %scan3A_44 = %scan3A to %scan3A_23 step %scan3A_24  : i32 {
      %mul3A_45 = arith.constant 1 : i32
      %mul3A_46 = arith.muli %scan3A_44, %mul3A_45 : i32
      %add3A_47 = arith.constant 0 : i32
      %add3A_48 = arith.addi %add3A_47, %mul3A_46 : i32
      %mul3A_49 = arith.constant 2 : i32
      %mul3A_50 = arith.muli %mul3A_49, %add3A_48 : i32
      %mul3A_51 = arith.constant 128 : i32
      %mul3A_52 = arith.muli %mul3A_50, %mul3A_51 : i32
      %add3A_53 = arith.addi %mul3A_6, %mul3A_52 : i32
      %dma_wait3A_54 = tpu.memref_slice %arg3[%mul3A_6] : memref<320000xi32, #tpu.memory_space<hbm>> -> memref<128xi32, #tpu.memory_space<hbm>>
      %dma_wait3A_55 = tpu.memref_slice %arg3[%mul3A_6] : memref<320000xi32, #tpu.memory_space<hbm>> -> memref<128xi32, #tpu.memory_space<hbm>>
      tpu.wait_dma2 semaphore(%arg20 : memref<!tpu.dma_semaphore, #tpu.memory_space<semaphore_mem>>) src(%dma_wait3A_55 : memref<128xi32, #tpu.memory_space<hbm>>) dst(%arg11 : memref<128xi32, #tpu.memory_space<vmem>>)
      %dma_wait3A_56 = tpu.memref_slice %arg4[%mul3A_6] : memref<320000xi32, #tpu.memory_space<hbm>> -> memref<128xi32, #tpu.memory_space<hbm>>
      %dma_wait3A_57 = tpu.memref_slice %arg4[%mul3A_6] : memref<320000xi32, #tpu.memory_space<hbm>> -> memref<128xi32, #tpu.memory_space<hbm>>
      tpu.wait_dma2 semaphore(%arg20 : memref<!tpu.dma_semaphore, #tpu.memory_space<semaphore_mem>>) src(%dma_wait3A_57 : memref<128xi32, #tpu.memory_space<hbm>>) dst(%arg12 : memref<128xi32, #tpu.memory_space<vmem>>)
      %dma_start3A_58 = arith.constant 0 : i32
      %dma_start3A_59 = arith.constant 0 : i32
      %dma_start3A_60 = tpu.memref_slice %arg2[%dma_start3A_58, %dma_start3A_59] : memref<10000x128xf32, #tpu.memory_space<hbm>> -> memref<10000x128xf32, #tpu.memory_space<hbm>>
      tpu.enqueue_indirect_dma source(%dma_start3A_60 : memref<10000x128xf32, #tpu.memory_space<hbm>>) target(%arg13 : memref<128x128xf32, #tpu.memory_space<vmem>>) offsets(%arg11 : memref<128xi32, #tpu.memory_space<vmem>>) semaphore(%arg18 : memref<!tpu.dma_semaphore, #tpu.memory_space<semaphore_mem>>)
      %dma_wait3A_61 = arith.constant 0 : i32
      %dma_wait3A_62 = arith.constant 0 : i32
      %dma_wait3A_63 = tpu.memref_slice %arg2[%dma_wait3A_61, %dma_wait3A_62] : memref<10000x128xf32, #tpu.memory_space<hbm>> -> memref<10000x128xf32, #tpu.memory_space<hbm>>
      tpu.wait_indirect_dma semaphore(%arg17 : memref<!tpu.dma_semaphore, #tpu.memory_space<semaphore_mem>>) src(%dma_wait3A_63 : memref<10000x128xf32, #tpu.memory_space<hbm>>) dst(%arg10 : memref<128x128xf32, #tpu.memory_space<vmem>>)
      "tpu.region"() ({
        %run_scoped3A = tpu.sem_alloc : memref<!tpu.dma_semaphore, #tpu.memory_space<semaphore_mem>>
        %dma_start3A_76 = arith.constant 0 : i32
        %dma_start3A_77 = arith.constant 0 : i32
        %dma_start3A_78 = tpu.memref_slice %arg7[%dma_start3A_76, %dma_start3A_77] : memref<10000x128xf32, #tpu.memory_space<vmem_shared>> -> memref<10000x128xf32, #tpu.memory_space<vmem_shared>>
        tpu.enqueue_indirect_dma source(%arg10 : memref<128x128xf32, #tpu.memory_space<vmem>>) target(%dma_start3A_78 : memref<10000x128xf32, #tpu.memory_space<vmem_shared>>) offsets(%arg9 : memref<128xi32, #tpu.memory_space<vmem>>) semaphore(%run_scoped3A : memref<!tpu.dma_semaphore, #tpu.memory_space<semaphore_mem>>) {add = true}
        %dma_wait3A_79 = arith.constant 0 : i32
        %dma_wait3A_80 = arith.constant 0 : i32
        %dma_wait3A_81 = tpu.memref_slice %arg7[%dma_wait3A_79, %dma_wait3A_80] : memref<10000x128xf32, #tpu.memory_space<vmem_shared>> -> memref<10000x128xf32, #tpu.memory_space<vmem_shared>>
        tpu.wait_indirect_dma semaphore(%run_scoped3A : memref<!tpu.dma_semaphore, #tpu.memory_space<semaphore_mem>>) src(%arg10 : memref<128x128xf32, #tpu.memory_space<vmem>>) dst(%dma_wait3A_81 : memref<10000x128xf32, #tpu.memory_space<vmem_shared>>)
        tpu.yield
      }) : () -> ()
      %lt3A = arith.constant 38 : i32
      %lt3A_64 = arith.cmpi slt, %add3A_48, %lt3A : i32
      %convert_element_type3A_65 = arith.extui %lt3A_64 : i1 to i32
      %cond3A_66 = arith.constant 0 : i32
      %cond3A_67 = arith.cmpi ne, %convert_element_type3A_65, %cond3A_66 : i32
      scf.if %cond3A_67 {
        %add3A_76 = arith.constant 256 : i32
        %add3A_77 = arith.addi %add3A_53, %add3A_76 : i32
        %dma_start3A_78 = tpu.memref_slice %arg3[%add3A_77] : memref<320000xi32, #tpu.memory_space<hbm>> -> memref<128xi32, #tpu.memory_space<hbm>>
        %dma_start3A_79 = tpu.memref_slice %arg3[%add3A_77] : memref<320000xi32, #tpu.memory_space<hbm>> -> memref<128xi32, #tpu.memory_space<hbm>>
        tpu.enqueue_dma source(%dma_start3A_79 : memref<128xi32, #tpu.memory_space<hbm>>) target(%arg8 : memref<128xi32, #tpu.memory_space<vmem>>) target_semaphore(%arg19 : memref<!tpu.dma_semaphore, #tpu.memory_space<semaphore_mem>>)
        %dma_start3A_80 = tpu.memref_slice %arg4[%add3A_77] : memref<320000xi32, #tpu.memory_space<hbm>> -> memref<128xi32, #tpu.memory_space<hbm>>
        %dma_start3A_81 = tpu.memref_slice %arg4[%add3A_77] : memref<320000xi32, #tpu.memory_space<hbm>> -> memref<128xi32, #tpu.memory_space<hbm>>
        tpu.enqueue_dma source(%dma_start3A_81 : memref<128xi32, #tpu.memory_space<hbm>>) target(%arg9 : memref<128xi32, #tpu.memory_space<vmem>>) target_semaphore(%arg19 : memref<!tpu.dma_semaphore, #tpu.memory_space<semaphore_mem>>)
      } else {
      }
      %dma_wait3A_68 = arith.constant 0 : i32
      %dma_wait3A_69 = arith.constant 0 : i32
      %dma_wait3A_70 = tpu.memref_slice %arg2[%dma_wait3A_68, %dma_wait3A_69] : memref<10000x128xf32, #tpu.memory_space<hbm>> -> memref<10000x128xf32, #tpu.memory_space<hbm>>
      tpu.wait_indirect_dma semaphore(%arg18 : memref<!tpu.dma_semaphore, #tpu.memory_space<semaphore_mem>>) src(%dma_wait3A_70 : memref<10000x128xf32, #tpu.memory_space<hbm>>) dst(%arg13 : memref<128x128xf32, #tpu.memory_space<vmem>>)
      "tpu.region"() ({
        %run_scoped3A = tpu.sem_alloc : memref<!tpu.dma_semaphore, #tpu.memory_space<semaphore_mem>>
        %dma_start3A_76 = arith.constant 0 : i32
        %dma_start3A_77 = arith.constant 0 : i32
        %dma_start3A_78 = tpu.memref_slice %arg7[%dma_start3A_76, %dma_start3A_77] : memref<10000x128xf32, #tpu.memory_space<vmem_shared>> -> memref<10000x128xf32, #tpu.memory_space<vmem_shared>>
        tpu.enqueue_indirect_dma source(%arg13 : memref<128x128xf32, #tpu.memory_space<vmem>>) target(%dma_start3A_78 : memref<10000x128xf32, #tpu.memory_space<vmem_shared>>) offsets(%arg12 : memref<128xi32, #tpu.memory_space<vmem>>) semaphore(%run_scoped3A : memref<!tpu.dma_semaphore, #tpu.memory_space<semaphore_mem>>) {add = true}
        %dma_wait3A_79 = arith.constant 0 : i32
        %dma_wait3A_80 = arith.constant 0 : i32
        %dma_wait3A_81 = tpu.memref_slice %arg7[%dma_wait3A_79, %dma_wait3A_80] : memref<10000x128xf32, #tpu.memory_space<vmem_shared>> -> memref<10000x128xf32, #tpu.memory_space<vmem_shared>>
        tpu.wait_indirect_dma semaphore(%run_scoped3A : memref<!tpu.dma_semaphore, #tpu.memory_space<semaphore_mem>>) src(%arg13 : memref<128x128xf32, #tpu.memory_space<vmem>>) dst(%dma_wait3A_81 : memref<10000x128xf32, #tpu.memory_space<vmem_shared>>)
        tpu.yield
      }) : () -> ()
      %lt3A_71 = arith.constant 38 : i32
      %lt3A_72 = arith.cmpi slt, %add3A_48, %lt3A_71 : i32
      %convert_element_type3A_73 = arith.extui %lt3A_72 : i1 to i32
      %cond3A_74 = arith.constant 0 : i32
      %cond3A_75 = arith.cmpi ne, %convert_element_type3A_73, %cond3A_74 : i32
      scf.if %cond3A_75 {
        %add3A_76 = arith.constant 384 : i32
        %add3A_77 = arith.addi %add3A_53, %add3A_76 : i32
        %dma_start3A_78 = tpu.memref_slice %arg3[%add3A_77] : memref<320000xi32, #tpu.memory_space<hbm>> -> memref<128xi32, #tpu.memory_space<hbm>>
        %dma_start3A_79 = tpu.memref_slice %arg3[%add3A_77] : memref<320000xi32, #tpu.memory_space<hbm>> -> memref<128xi32, #tpu.memory_space<hbm>>
        tpu.enqueue_dma source(%dma_start3A_79 : memref<128xi32, #tpu.memory_space<hbm>>) target(%arg11 : memref<128xi32, #tpu.memory_space<vmem>>) target_semaphore(%arg20 : memref<!tpu.dma_semaphore, #tpu.memory_space<semaphore_mem>>)
        %dma_start3A_80 = tpu.memref_slice %arg4[%add3A_77] : memref<320000xi32, #tpu.memory_space<hbm>> -> memref<128xi32, #tpu.memory_space<hbm>>
        %dma_start3A_81 = tpu.memref_slice %arg4[%add3A_77] : memref<320000xi32, #tpu.memory_space<hbm>> -> memref<128xi32, #tpu.memory_space<hbm>>
        tpu.enqueue_dma source(%dma_start3A_81 : memref<128xi32, #tpu.memory_space<hbm>>) target(%arg12 : memref<128xi32, #tpu.memory_space<vmem>>) target_semaphore(%arg20 : memref<!tpu.dma_semaphore, #tpu.memory_space<semaphore_mem>>)
        %dma_wait3A_82 = tpu.memref_slice %arg3[%mul3A_6] : memref<320000xi32, #tpu.memory_space<hbm>> -> memref<128xi32, #tpu.memory_space<hbm>>
        %dma_wait3A_83 = tpu.memref_slice %arg3[%mul3A_6] : memref<320000xi32, #tpu.memory_space<hbm>> -> memref<128xi32, #tpu.memory_space<hbm>>
        tpu.wait_dma2 semaphore(%arg19 : memref<!tpu.dma_semaphore, #tpu.memory_space<semaphore_mem>>) src(%dma_wait3A_83 : memref<128xi32, #tpu.memory_space<hbm>>) dst(%arg8 : memref<128xi32, #tpu.memory_space<vmem>>)
        %dma_wait3A_84 = tpu.memref_slice %arg4[%mul3A_6] : memref<320000xi32, #tpu.memory_space<hbm>> -> memref<128xi32, #tpu.memory_space<hbm>>
        %dma_wait3A_85 = tpu.memref_slice %arg4[%mul3A_6] : memref<320000xi32, #tpu.memory_space<hbm>> -> memref<128xi32, #tpu.memory_space<hbm>>
        tpu.wait_dma2 semaphore(%arg19 : memref<!tpu.dma_semaphore, #tpu.memory_space<semaphore_mem>>) src(%dma_wait3A_85 : memref<128xi32, #tpu.memory_space<hbm>>) dst(%arg9 : memref<128xi32, #tpu.memory_space<vmem>>)
        %dma_start3A_86 = arith.constant 0 : i32
        %dma_start3A_87 = arith.constant 0 : i32
        %dma_start3A_88 = tpu.memref_slice %arg2[%dma_start3A_86, %dma_start3A_87] : memref<10000x128xf32, #tpu.memory_space<hbm>> -> memref<10000x128xf32, #tpu.memory_space<hbm>>
        tpu.enqueue_indirect_dma source(%dma_start3A_88 : memref<10000x128xf32, #tpu.memory_space<hbm>>) target(%arg10 : memref<128x128xf32, #tpu.memory_space<vmem>>) offsets(%arg8 : memref<128xi32, #tpu.memory_space<vmem>>) semaphore(%arg17 : memref<!tpu.dma_semaphore, #tpu.memory_space<semaphore_mem>>)
      } else {
      }
    }
    %scan3A_25 = arith.constant 39 : i32
    %add3A_26 = arith.constant 9984 : i32
    %add3A_27 = arith.addi %mul3A_6, %add3A_26 : i32
    "tpu.region"() ({
      %run_scoped3A = tpu.sem_alloc : memref<!tpu.dma_semaphore, #tpu.memory_space<semaphore_mem>>
      %dma_start3A_44 = tpu.memref_slice %arg3[%add3A_27] : memref<320000xi32, #tpu.memory_space<hbm>> -> memref<16xi32, #tpu.memory_space<hbm>>
      %dma_start3A_45 = tpu.memref_slice %arg3[%add3A_27] : memref<320000xi32, #tpu.memory_space<hbm>> -> memref<16xi32, #tpu.memory_space<hbm>>
      tpu.enqueue_dma source(%dma_start3A_45 : memref<16xi32, #tpu.memory_space<hbm>>) target(%arg14 : memref<16xi32, #tpu.memory_space<vmem>>) target_semaphore(%run_scoped3A : memref<!tpu.dma_semaphore, #tpu.memory_space<semaphore_mem>>)
      %dma_wait3A_46 = tpu.memref_slice %arg3[%add3A_27] : memref<320000xi32, #tpu.memory_space<hbm>> -> memref<16xi32, #tpu.memory_space<hbm>>
      %dma_wait3A_47 = tpu.memref_slice %arg3[%add3A_27] : memref<320000xi32, #tpu.memory_space<hbm>> -> memref<16xi32, #tpu.memory_space<hbm>>
      tpu.wait_dma2 semaphore(%run_scoped3A : memref<!tpu.dma_semaphore, #tpu.memory_space<semaphore_mem>>) src(%dma_wait3A_47 : memref<16xi32, #tpu.memory_space<hbm>>) dst(%arg14 : memref<16xi32, #tpu.memory_space<vmem>>)
      tpu.yield
    }) : () -> ()
    "tpu.region"() ({
      %run_scoped3A = tpu.sem_alloc : memref<!tpu.dma_semaphore, #tpu.memory_space<semaphore_mem>>
      %dma_start3A_44 = tpu.memref_slice %arg4[%add3A_27] : memref<320000xi32, #tpu.memory_space<hbm>> -> memref<16xi32, #tpu.memory_space<hbm>>
      %dma_start3A_45 = tpu.memref_slice %arg4[%add3A_27] : memref<320000xi32, #tpu.memory_space<hbm>> -> memref<16xi32, #tpu.memory_space<hbm>>
      tpu.enqueue_dma source(%dma_start3A_45 : memref<16xi32, #tpu.memory_space<hbm>>) target(%arg15 : memref<16xi32, #tpu.memory_space<vmem>>) target_semaphore(%run_scoped3A : memref<!tpu.dma_semaphore, #tpu.memory_space<semaphore_mem>>)
      %dma_wait3A_46 = tpu.memref_slice %arg4[%add3A_27] : memref<320000xi32, #tpu.memory_space<hbm>> -> memref<16xi32, #tpu.memory_space<hbm>>
      %dma_wait3A_47 = tpu.memref_slice %arg4[%add3A_27] : memref<320000xi32, #tpu.memory_space<hbm>> -> memref<16xi32, #tpu.memory_space<hbm>>
      tpu.wait_dma2 semaphore(%run_scoped3A : memref<!tpu.dma_semaphore, #tpu.memory_space<semaphore_mem>>) src(%dma_wait3A_47 : memref<16xi32, #tpu.memory_space<hbm>>) dst(%arg15 : memref<16xi32, #tpu.memory_space<vmem>>)
      tpu.yield
    }) : () -> ()
    %dma_start3A_28 = arith.constant 0 : i32
    %dma_start3A_29 = arith.constant 0 : i32
    %dma_start3A_30 = tpu.memref_slice %arg2[%dma_start3A_28, %dma_start3A_29] : memref<10000x128xf32, #tpu.memory_space<hbm>> -> memref<10000x128xf32, #tpu.memory_space<hbm>>
    tpu.enqueue_indirect_dma source(%dma_start3A_30 : memref<10000x128xf32, #tpu.memory_space<hbm>>) target(%arg16 : memref<16x128xf32, #tpu.memory_space<vmem>>) offsets(%arg14 : memref<16xi32, #tpu.memory_space<vmem>>) semaphore(%arg17 : memref<!tpu.dma_semaphore, #tpu.memory_space<semaphore_mem>>)
    %dma_wait3A_31 = arith.constant 0 : i32
    %dma_wait3A_32 = arith.constant 0 : i32
    %dma_wait3A_33 = tpu.memref_slice %arg2[%dma_wait3A_31, %dma_wait3A_32] : memref<10000x128xf32, #tpu.memory_space<hbm>> -> memref<10000x128xf32, #tpu.memory_space<hbm>>
    tpu.wait_indirect_dma semaphore(%arg17 : memref<!tpu.dma_semaphore, #tpu.memory_space<semaphore_mem>>) src(%dma_wait3A_33 : memref<10000x128xf32, #tpu.memory_space<hbm>>) dst(%arg16 : memref<16x128xf32, #tpu.memory_space<vmem>>)
    "tpu.region"() ({
      %run_scoped3A = tpu.sem_alloc : memref<!tpu.dma_semaphore, #tpu.memory_space<semaphore_mem>>
      %dma_start3A_44 = arith.constant 0 : i32
      %dma_start3A_45 = arith.constant 0 : i32
      %dma_start3A_46 = tpu.memref_slice %arg7[%dma_start3A_44, %dma_start3A_45] : memref<10000x128xf32, #tpu.memory_space<vmem_shared>> -> memref<10000x128xf32, #tpu.memory_space<vmem_shared>>
      tpu.enqueue_indirect_dma source(%arg16 : memref<16x128xf32, #tpu.memory_space<vmem>>) target(%dma_start3A_46 : memref<10000x128xf32, #tpu.memory_space<vmem_shared>>) offsets(%arg15 : memref<16xi32, #tpu.memory_space<vmem>>) semaphore(%run_scoped3A : memref<!tpu.dma_semaphore, #tpu.memory_space<semaphore_mem>>) {add = true}
      %dma_wait3A_47 = arith.constant 0 : i32
      %dma_wait3A_48 = arith.constant 0 : i32
      %dma_wait3A_49 = tpu.memref_slice %arg7[%dma_wait3A_47, %dma_wait3A_48] : memref<10000x128xf32, #tpu.memory_space<vmem_shared>> -> memref<10000x128xf32, #tpu.memory_space<vmem_shared>>
      tpu.wait_indirect_dma semaphore(%run_scoped3A : memref<!tpu.dma_semaphore, #tpu.memory_space<semaphore_mem>>) src(%arg16 : memref<16x128xf32, #tpu.memory_space<vmem>>) dst(%dma_wait3A_49 : memref<10000x128xf32, #tpu.memory_space<vmem_shared>>)
      tpu.yield
    }) : () -> ()
    %barrier3A_34 = arith.constant 0 : index
    tpu.barrier barrier_id(%barrier3A_34)
    %mul3A_35 = arith.constant 624 : i32
    %mul3A_36 = arith.muli %arg1, %mul3A_35 : i32
    %mul3A_37 = arith.constant 624 : i32
    %mul3A_38 = arith.muli %arg1, %mul3A_37 : i32
    "tpu.region"() ({
      %run_scoped3A = tpu.sem_alloc : memref<!tpu.dma_semaphore, #tpu.memory_space<semaphore_mem>>
      %dma_start3A_44 = arith.constant 0 : i32
      %dma_start3A_45 = tpu.memref_slice %arg6[%arg0, %mul3A_38, %dma_start3A_44] : memref<2x10000x128xf32, #tpu.memory_space<hbm>> -> memref<1x624x128xf32, #tpu.memory_space<hbm>>
      %dma_start3A_46 = tpu.memref_squeeze %dma_start3A_45 : memref<1x624x128xf32, #tpu.memory_space<hbm>> -> memref<624x128xf32, #tpu.memory_space<hbm>>
      %dma_start3A_47 = arith.constant 0 : i32
      %dma_start3A_48 = tpu.memref_slice %arg7[%mul3A_36, %dma_start3A_47] : memref<10000x128xf32, #tpu.memory_space<vmem_shared>> -> memref<624x128xf32, #tpu.memory_space<vmem_shared>>
      tpu.enqueue_dma source(%dma_start3A_48 : memref<624x128xf32, #tpu.memory_space<vmem_shared>>) target(%dma_start3A_46 : memref<624x128xf32, #tpu.memory_space<hbm>>) target_semaphore(%run_scoped3A : memref<!tpu.dma_semaphore, #tpu.memory_space<semaphore_mem>>)
      %dma_wait3A_49 = arith.constant 0 : i32
      %dma_wait3A_50 = tpu.memref_slice %arg6[%arg0, %mul3A_38, %dma_wait3A_49] : memref<2x10000x128xf32, #tpu.memory_space<hbm>> -> memref<1x624x128xf32, #tpu.memory_space<hbm>>
      %dma_wait3A_51 = tpu.memref_squeeze %dma_wait3A_50 : memref<1x624x128xf32, #tpu.memory_space<hbm>> -> memref<624x128xf32, #tpu.memory_space<hbm>>
      %dma_wait3A_52 = arith.constant 0 : i32
      %dma_wait3A_53 = tpu.memref_slice %arg7[%mul3A_36, %dma_wait3A_52] : memref<10000x128xf32, #tpu.memory_space<vmem_shared>> -> memref<624x128xf32, #tpu.memory_space<vmem_shared>>
      tpu.wait_dma2 semaphore(%run_scoped3A : memref<!tpu.dma_semaphore, #tpu.memory_space<semaphore_mem>>) src(%dma_wait3A_53 : memref<624x128xf32, #tpu.memory_space<vmem_shared>>) dst(%dma_wait3A_51 : memref<624x128xf32, #tpu.memory_space<hbm>>)
      tpu.yield
    }) : () -> ()
    %eq3A_39 = arith.constant 0 : i32
    %eq3A_40 = arith.cmpi eq, %arg1, %eq3A_39 : i32
    %convert_element_type3A_41 = arith.extui %eq3A_40 : i1 to i32
    %cond3A_42 = arith.constant 0 : i32
    %cond3A_43 = arith.cmpi ne, %convert_element_type3A_41, %cond3A_42 : i32
    scf.if %cond3A_43 {
      "tpu.region"() ({
        %run_scoped3A = tpu.sem_alloc : memref<!tpu.dma_semaphore, #tpu.memory_space<semaphore_mem>>
        %dma_start3A_44 = arith.constant 9984 : i32
        %dma_start3A_45 = arith.constant 0 : i32
        %dma_start3A_46 = tpu.memref_slice %arg6[%arg0, %dma_start3A_44, %dma_start3A_45] : memref<2x10000x128xf32, #tpu.memory_space<hbm>> -> memref<1x16x128xf32, #tpu.memory_space<hbm>>
        %dma_start3A_47 = tpu.memref_squeeze %dma_start3A_46 : memref<1x16x128xf32, #tpu.memory_space<hbm>> -> memref<16x128xf32, #tpu.memory_space<hbm>>
        %dma_start3A_48 = arith.constant 9984 : i32
        %dma_start3A_49 = arith.constant 0 : i32
        %dma_start3A_50 = tpu.memref_slice %arg7[%dma_start3A_48, %dma_start3A_49] : memref<10000x128xf32, #tpu.memory_space<vmem_shared>> -> memref<16x128xf32, #tpu.memory_space<vmem_shared>>
        tpu.enqueue_dma source(%dma_start3A_50 : memref<16x128xf32, #tpu.memory_space<vmem_shared>>) target(%dma_start3A_47 : memref<16x128xf32, #tpu.memory_space<hbm>>) target_semaphore(%run_scoped3A : memref<!tpu.dma_semaphore, #tpu.memory_space<semaphore_mem>>)
        %dma_wait3A_51 = arith.constant 9984 : i32
        %dma_wait3A_52 = arith.constant 0 : i32
        %dma_wait3A_53 = tpu.memref_slice %arg6[%arg0, %dma_wait3A_51, %dma_wait3A_52] : memref<2x10000x128xf32, #tpu.memory_space<hbm>> -> memref<1x16x128xf32, #tpu.memory_space<hbm>>
        %dma_wait3A_54 = tpu.memref_squeeze %dma_wait3A_53 : memref<1x16x128xf32, #tpu.memory_space<hbm>> -> memref<16x128xf32, #tpu.memory_space<hbm>>
        %dma_wait3A_55 = arith.constant 9984 : i32
        %dma_wait3A_56 = arith.constant 0 : i32
        %dma_wait3A_57 = tpu.memref_slice %arg7[%dma_wait3A_55, %dma_wait3A_56] : memref<10000x128xf32, #tpu.memory_space<vmem_shared>> -> memref<16x128xf32, #tpu.memory_space<vmem_shared>>
        tpu.wait_dma2 semaphore(%run_scoped3A : memref<!tpu.dma_semaphore, #tpu.memory_space<semaphore_mem>>) src(%dma_wait3A_57 : memref<16x128xf32, #tpu.memory_space<vmem_shared>>) dst(%dma_wait3A_54 : memref<16x128xf32, #tpu.memory_space<hbm>>)
        tpu.yield
      }) : () -> ()
    } else {
    }
    return
  }
}

module attributes {stable_mosaic.version = 14 : i64} {
  func.func @_tc_layer_body(%arg0: i32, %arg1: memref<1000x128xf32, #tpu.memory_space<vmem>>, %arg2: memref<2x1000x128xf32, #tpu.memory_space<vmem>>, %arg3: memref<2x1000x16xf32, #tpu.memory_space<vmem>>, %arg4: memref<128x128xf32, #tpu.memory_space<vmem>>, %arg5: memref<128x128xf32, #tpu.memory_space<vmem>>, %arg6: memref<1x128xf32, #tpu.memory_space<vmem>>, %arg7: memref<1000x128xf32, #tpu.memory_space<vmem>>) attributes {dimension_semantics = [#tpu.dimension_semantics<arbitrary>], iteration_bounds = array<i64: 10>, scalar_prefetch = 0 : i64, scratch_operands = 0 : i64, tpu.core_type = #tpu.core_type<tc>, window_params = [{transform_indices = @transform_0, window_bounds = array<i64: 1000, 128>}, {transform_indices = @transform_1, window_bounds = array<i64: 2, 1000, 128>}, {transform_indices = @transform_2, window_bounds = array<i64: 2, 1000, 16>}, {pipeline_mode = #tpu.pipeline_mode<synchronous>, transform_indices = @transform_3, window_bounds = array<i64: 128, 128>}, {pipeline_mode = #tpu.pipeline_mode<synchronous>, transform_indices = @transform_4, window_bounds = array<i64: 128, 128>}, {pipeline_mode = #tpu.pipeline_mode<synchronous>, transform_indices = @transform_5, window_bounds = array<i64: 1, 128>}, {transform_indices = @transform_6, window_bounds = array<i64: 1000, 128>}]} {
    %get3A = arith.constant 0 : index
    %get3A_0 = arith.constant 0 : index
    %get3A_1 = arith.constant 0 : index
    %get3A_2 = vector.load %arg2[%get3A, %get3A_0, %get3A_1] : memref<2x1000x128xf32, #tpu.memory_space<vmem>>, vector<1x1000x128xf32>
    %get3A_3 = vector.shape_cast %get3A_2 : vector<1x1000x128xf32> to vector<1000x128xf32>
    %get3A_4 = arith.constant 1 : index
    %get3A_5 = arith.constant 0 : index
    %get3A_6 = arith.constant 0 : index
    %get3A_7 = vector.load %arg2[%get3A_4, %get3A_5, %get3A_6] : memref<2x1000x128xf32, #tpu.memory_space<vmem>>, vector<1x1000x128xf32>
    %get3A_8 = vector.shape_cast %get3A_7 : vector<1x1000x128xf32> to vector<1000x128xf32>
    %add3A = arith.addf %get3A_3, %get3A_8 : vector<1000x128xf32>
    %get3A_9 = arith.constant 0 : index
    %get3A_10 = arith.constant 0 : index
    %get3A_11 = arith.constant 0 : index
    %get3A_12 = vector.load %arg3[%get3A_9, %get3A_10, %get3A_11] : memref<2x1000x16xf32, #tpu.memory_space<vmem>>, vector<1x1000x1xf32>
    %get3A_13 = vector.shape_cast %get3A_12 : vector<1x1000x1xf32> to vector<1000xf32>
    %get3A_14 = arith.constant 1 : index
    %get3A_15 = arith.constant 0 : index
    %get3A_16 = arith.constant 0 : index
    %get3A_17 = vector.load %arg3[%get3A_14, %get3A_15, %get3A_16] : memref<2x1000x16xf32, #tpu.memory_space<vmem>>, vector<1x1000x1xf32>
    %get3A_18 = vector.shape_cast %get3A_17 : vector<1x1000x1xf32> to vector<1000xf32>
    %add3A_19 = arith.addf %get3A_13, %get3A_18 : vector<1000xf32>
    %max3A = arith.constant 1.000000e+00 : f32
    %max3A_20 = vector.broadcast %max3A : f32 to vector<1000xf32>
    %max3A_21 = arith.maximumf %add3A_19, %max3A_20 : vector<1000xf32>
    %get3A_22 = arith.constant 0 : index
    %get3A_23 = arith.constant 0 : index
    %get3A_24 = vector.load %arg5[%get3A_22, %get3A_23] : memref<128x128xf32, #tpu.memory_space<vmem>>, vector<128x128xf32>
    %dot_general3A = arith.constant dense<0.000000e+00> : vector<1000x128xf32>
    %dot_general3A_25 = tpu.matmul %add3A, %get3A_24, %dot_general3A {dimension_numbers = #tpu.dot_dimension_numbers<[1], [0], [0], [1], [0, 0, 1, 1], [], []>, precision = #tpu.contract_precision<fp32>, transpose_lhs_hint = false} : vector<1000x128xf32>, vector<128x128xf32>, vector<1000x128xf32> -> vector<1000x128xf32>
    %get3A_26 = arith.constant 0 : index
    %get3A_27 = arith.constant 0 : index
    %get3A_28 = vector.load %arg1[%get3A_26, %get3A_27] : memref<1000x128xf32, #tpu.memory_space<vmem>>, vector<1000x128xf32>
    %get3A_29 = arith.constant 0 : index
    %get3A_30 = arith.constant 0 : index
    %get3A_31 = vector.load %arg4[%get3A_29, %get3A_30] : memref<128x128xf32, #tpu.memory_space<vmem>>, vector<128x128xf32>
    %dot_general3A_32 = arith.constant dense<0.000000e+00> : vector<1000x128xf32>
    %dot_general3A_33 = tpu.matmul %get3A_28, %get3A_31, %dot_general3A_32 {dimension_numbers = #tpu.dot_dimension_numbers<[1], [0], [0], [1], [0, 0, 1, 1], [], []>, precision = #tpu.contract_precision<fp32>, transpose_lhs_hint = false} : vector<1000x128xf32>, vector<128x128xf32>, vector<1000x128xf32> -> vector<1000x128xf32>
    %broadcast_in_dim3A = vector.shape_cast %max3A_21 : vector<1000xf32> to vector<1000x1xf32>
    %div3A = vector.broadcast %broadcast_in_dim3A : vector<1000x1xf32> to vector<1000x128xf32>
    %div3A_34 = arith.divf %dot_general3A_25, %div3A : vector<1000x128xf32>
    %add3A_35 = arith.addf %dot_general3A_33, %div3A_34 : vector<1000x128xf32>
    %get3A_36 = arith.constant 0 : index
    %get3A_37 = arith.constant 0 : index
    %get3A_38 = vector.load %arg6[%get3A_36, %get3A_37] : memref<1x128xf32, #tpu.memory_space<vmem>>, vector<1x128xf32>
    %add3A_39 = vector.broadcast %get3A_38 : vector<1x128xf32> to vector<1000x128xf32>
    %add3A_40 = arith.addf %add3A_35, %add3A_39 : vector<1000x128xf32>
    %max3A_41 = arith.constant 0.000000e+00 : f32
    %max3A_42 = vector.broadcast %max3A_41 : f32 to vector<1000x128xf32>
    %max3A_43 = arith.maximumf %add3A_40, %max3A_42 : vector<1000x128xf32>
    %swap3A = arith.constant 0 : index
    %swap3A_44 = arith.constant 0 : index
    %swap3A_45 = vector.load %arg7[%swap3A, %swap3A_44] : memref<1000x128xf32, #tpu.memory_space<vmem>>, vector<1000x128xf32>
    tpu.vector_store %arg7[%swap3A, %swap3A_44], %max3A_43 {strides = array<i32>} : memref<1000x128xf32, #tpu.memory_space<vmem>>, vector<1000x128xf32>,
    return
  }
  func.func @transform_0(%arg0: i32) -> (i32, i32) {
    %c0_i32 = arith.constant 0 : i32
    %c0_i32_0 = arith.constant 0 : i32
    return %arg0, %c0_i32 : i32, i32
  }
  func.func @transform_1(%arg0: i32) -> (i32, i32, i32) {
    %c0_i32 = arith.constant 0 : i32
    %c0_i32_0 = arith.constant 0 : i32
    %c0_i32_1 = arith.constant 0 : i32
    return %c0_i32, %arg0, %c0_i32_0 : i32, i32, i32
  }
  func.func @transform_2(%arg0: i32) -> (i32, i32, i32) {
    %c0_i32 = arith.constant 0 : i32
    %c0_i32_0 = arith.constant 0 : i32
    %c0_i32_1 = arith.constant 0 : i32
    return %c0_i32, %arg0, %c0_i32_0 : i32, i32, i32
  }
  func.func @transform_3(%arg0: i32) -> (i32, i32) {
    %c0_i32 = arith.constant 0 : i32
    %c0_i32_0 = arith.constant 0 : i32
    %c0_i32_1 = arith.constant 0 : i32
    return %c0_i32, %c0_i32_0 : i32, i32
  }
  func.func @transform_4(%arg0: i32) -> (i32, i32) {
    %c0_i32 = arith.constant 0 : i32
    %c0_i32_0 = arith.constant 0 : i32
    %c0_i32_1 = arith.constant 0 : i32
    return %c0_i32, %c0_i32_0 : i32, i32
  }
  func.func @transform_5(%arg0: i32) -> (i32, i32) {
    %c0_i32 = arith.constant 0 : i32
    %c0_i32_0 = arith.constant 0 : i32
    %c0_i32_1 = arith.constant 0 : i32
    return %c0_i32, %c0_i32_0 : i32, i32
  }
  func.func @transform_6(%arg0: i32) -> (i32, i32) {
    %c0_i32 = arith.constant 0 : i32
    %c0_i32_0 = arith.constant 0 : i32
    return %arg0, %c0_i32 : i32, i32
  }
}

module attributes {stable_mosaic.version = 14 : i64} {
  func.func @_tc_layer_body(%arg0: i32, %arg1: memref<1000x128xf32, #tpu.memory_space<vmem>>, %arg2: memref<2x1000x128xf32, #tpu.memory_space<vmem>>, %arg3: memref<2x1000x16xf32, #tpu.memory_space<vmem>>, %arg4: memref<128x128xf32, #tpu.memory_space<vmem>>, %arg5: memref<128x128xf32, #tpu.memory_space<vmem>>, %arg6: memref<1x128xf32, #tpu.memory_space<vmem>>, %arg7: memref<1000x128xf32, #tpu.memory_space<vmem>>) attributes {dimension_semantics = [#tpu.dimension_semantics<arbitrary>], iteration_bounds = array<i64: 10>, scalar_prefetch = 0 : i64, scratch_operands = 0 : i64, tpu.core_type = #tpu.core_type<tc>, window_params = [{transform_indices = @transform_0, window_bounds = array<i64: 1000, 128>}, {transform_indices = @transform_1, window_bounds = array<i64: 2, 1000, 128>}, {transform_indices = @transform_2, window_bounds = array<i64: 2, 1000, 16>}, {pipeline_mode = #tpu.pipeline_mode<synchronous>, transform_indices = @transform_3, window_bounds = array<i64: 128, 128>}, {pipeline_mode = #tpu.pipeline_mode<synchronous>, transform_indices = @transform_4, window_bounds = array<i64: 128, 128>}, {pipeline_mode = #tpu.pipeline_mode<synchronous>, transform_indices = @transform_5, window_bounds = array<i64: 1, 128>}, {transform_indices = @transform_6, window_bounds = array<i64: 1000, 128>}]} {
    %get3A = arith.constant 0 : index
    %get3A_0 = arith.constant 0 : index
    %get3A_1 = arith.constant 0 : index
    %get3A_2 = vector.load %arg2[%get3A, %get3A_0, %get3A_1] : memref<2x1000x128xf32, #tpu.memory_space<vmem>>, vector<1x1000x128xf32>
    %get3A_3 = vector.shape_cast %get3A_2 : vector<1x1000x128xf32> to vector<1000x128xf32>
    %get3A_4 = arith.constant 1 : index
    %get3A_5 = arith.constant 0 : index
    %get3A_6 = arith.constant 0 : index
    %get3A_7 = vector.load %arg2[%get3A_4, %get3A_5, %get3A_6] : memref<2x1000x128xf32, #tpu.memory_space<vmem>>, vector<1x1000x128xf32>
    %get3A_8 = vector.shape_cast %get3A_7 : vector<1x1000x128xf32> to vector<1000x128xf32>
    %add3A = arith.addf %get3A_3, %get3A_8 : vector<1000x128xf32>
    %get3A_9 = arith.constant 0 : index
    %get3A_10 = arith.constant 0 : index
    %get3A_11 = arith.constant 0 : index
    %get3A_12 = vector.load %arg3[%get3A_9, %get3A_10, %get3A_11] : memref<2x1000x16xf32, #tpu.memory_space<vmem>>, vector<1x1000x1xf32>
    %get3A_13 = vector.shape_cast %get3A_12 : vector<1x1000x1xf32> to vector<1000xf32>
    %get3A_14 = arith.constant 1 : index
    %get3A_15 = arith.constant 0 : index
    %get3A_16 = arith.constant 0 : index
    %get3A_17 = vector.load %arg3[%get3A_14, %get3A_15, %get3A_16] : memref<2x1000x16xf32, #tpu.memory_space<vmem>>, vector<1x1000x1xf32>
    %get3A_18 = vector.shape_cast %get3A_17 : vector<1x1000x1xf32> to vector<1000xf32>
    %add3A_19 = arith.addf %get3A_13, %get3A_18 : vector<1000xf32>
    %max3A = arith.constant 1.000000e+00 : f32
    %max3A_20 = vector.broadcast %max3A : f32 to vector<1000xf32>
    %max3A_21 = arith.maximumf %add3A_19, %max3A_20 : vector<1000xf32>
    %get3A_22 = arith.constant 0 : index
    %get3A_23 = arith.constant 0 : index
    %get3A_24 = vector.load %arg5[%get3A_22, %get3A_23] : memref<128x128xf32, #tpu.memory_space<vmem>>, vector<128x128xf32>
    %dot_general3A = arith.constant dense<0.000000e+00> : vector<1000x128xf32>
    %dot_general3A_25 = tpu.matmul %add3A, %get3A_24, %dot_general3A {dimension_numbers = #tpu.dot_dimension_numbers<[1], [0], [0], [1], [0, 0, 1, 1], [], []>, precision = #tpu.contract_precision<fp32>, transpose_lhs_hint = false} : vector<1000x128xf32>, vector<128x128xf32>, vector<1000x128xf32> -> vector<1000x128xf32>
    %get3A_26 = arith.constant 0 : index
    %get3A_27 = arith.constant 0 : index
    %get3A_28 = vector.load %arg1[%get3A_26, %get3A_27] : memref<1000x128xf32, #tpu.memory_space<vmem>>, vector<1000x128xf32>
    %get3A_29 = arith.constant 0 : index
    %get3A_30 = arith.constant 0 : index
    %get3A_31 = vector.load %arg4[%get3A_29, %get3A_30] : memref<128x128xf32, #tpu.memory_space<vmem>>, vector<128x128xf32>
    %dot_general3A_32 = arith.constant dense<0.000000e+00> : vector<1000x128xf32>
    %dot_general3A_33 = tpu.matmul %get3A_28, %get3A_31, %dot_general3A_32 {dimension_numbers = #tpu.dot_dimension_numbers<[1], [0], [0], [1], [0, 0, 1, 1], [], []>, precision = #tpu.contract_precision<fp32>, transpose_lhs_hint = false} : vector<1000x128xf32>, vector<128x128xf32>, vector<1000x128xf32> -> vector<1000x128xf32>
    %broadcast_in_dim3A = vector.shape_cast %max3A_21 : vector<1000xf32> to vector<1000x1xf32>
    %div3A = vector.broadcast %broadcast_in_dim3A : vector<1000x1xf32> to vector<1000x128xf32>
    %div3A_34 = arith.divf %dot_general3A_25, %div3A : vector<1000x128xf32>
    %add3A_35 = arith.addf %dot_general3A_33, %div3A_34 : vector<1000x128xf32>
    %get3A_36 = arith.constant 0 : index
    %get3A_37 = arith.constant 0 : index
    %get3A_38 = vector.load %arg6[%get3A_36, %get3A_37] : memref<1x128xf32, #tpu.memory_space<vmem>>, vector<1x128xf32>
    %add3A_39 = vector.broadcast %get3A_38 : vector<1x128xf32> to vector<1000x128xf32>
    %add3A_40 = arith.addf %add3A_35, %add3A_39 : vector<1000x128xf32>
    %swap3A = arith.constant 0 : index
    %swap3A_41 = arith.constant 0 : index
    %swap3A_42 = vector.load %arg7[%swap3A, %swap3A_41] : memref<1000x128xf32, #tpu.memory_space<vmem>>, vector<1000x128xf32>
    tpu.vector_store %arg7[%swap3A, %swap3A_41], %add3A_40 {strides = array<i32>} : memref<1000x128xf32, #tpu.memory_space<vmem>>, vector<1000x128xf32>,
    return
  }
  func.func @transform_0(%arg0: i32) -> (i32, i32) {
    %c0_i32 = arith.constant 0 : i32
    %c0_i32_0 = arith.constant 0 : i32
    return %arg0, %c0_i32 : i32, i32
  }
  func.func @transform_1(%arg0: i32) -> (i32, i32, i32) {
    %c0_i32 = arith.constant 0 : i32
    %c0_i32_0 = arith.constant 0 : i32
    %c0_i32_1 = arith.constant 0 : i32
    return %c0_i32, %arg0, %c0_i32_0 : i32, i32, i32
  }
  func.func @transform_2(%arg0: i32) -> (i32, i32, i32) {
    %c0_i32 = arith.constant 0 : i32
    %c0_i32_0 = arith.constant 0 : i32
    %c0_i32_1 = arith.constant 0 : i32
    return %c0_i32, %arg0, %c0_i32_0 : i32, i32, i32
  }
  func.func @transform_3(%arg0: i32) -> (i32, i32) {
    %c0_i32 = arith.constant 0 : i32
    %c0_i32_0 = arith.constant 0 : i32
    %c0_i32_1 = arith.constant 0 : i32
    return %c0_i32, %c0_i32_0 : i32, i32
  }
  func.func @transform_4(%arg0: i32) -> (i32, i32) {
    %c0_i32 = arith.constant 0 : i32
    %c0_i32_0 = arith.constant 0 : i32
    %c0_i32_1 = arith.constant 0 : i32
    return %c0_i32, %c0_i32_0 : i32, i32
  }
  func.func @transform_5(%arg0: i32) -> (i32, i32) {
    %c0_i32 = arith.constant 0 : i32
    %c0_i32_0 = arith.constant 0 : i32
    %c0_i32_1 = arith.constant 0 : i32
    return %c0_i32, %c0_i32_0 : i32, i32
  }
  func.func @transform_6(%arg0: i32) -> (i32, i32) {
    %c0_i32 = arith.constant 0 : i32
    %c0_i32_0 = arith.constant 0 : i32
    return %arg0, %c0_i32 : i32, i32
  }
}

</mosaic_0001>

<sc_bundles>
// kernel: kernel.10.cloned.1.call-start
scs
__scs_entry_jumppad:
0x0: {  	(pc) =	sbr.rel $0x88, $3  }
0x1: {  	(tag) =	ssettag $0x0;
	lr =	simm.s32 $0x1  }
0x2: {  	[smem:$0x3F99] =	sst lr;
	_ =	strace $0xD0000000  }
0x3: {  	_ = 	snop  }
0x4: {  	_ = 	snop  }
0x5: {  	_ = 	snop  }
0x6: {  	_ = 	snop  }
0x7: {  	_ = 	snop  }
__scs_overlays_trampoline_lowered:
0x8: {  	[smem:$0x3FA8] =	sst s0  }
0x9: {  	[smem:$0x3FA9] =	sst s1  }
0xa: {  	[smem:$0x3FAA] =	sst s2  }
0xb: {  	[smem:$0x3FAB] =	sst s3  }
0xc: {  	[smem:$0x3FAC] =	sst s4  }
0xd: {  	[smem:$0x3FAD] =	sst s5  }
0xe: {  	[smem:$0x3FAE] =	sst s6  }
0xf: {  	[smem:$0x3FAF] =	sst s7  }
0x10: {  	[smem:$0x3FB0] =	sst s8  }
0x11: {  	[smem:$0x3FB1] =	sst s9;
	s0 =	simm.s32 @!p0 $0x0  }
0x12: {  	s1 =	sld [smem:$0x3F97];
	s0 =	simm.s32 @p0 $0x1  }
0x13: {  	[smem:$0x3FB2] =	sst s0;
	s0 =	simm.s32 @!p1 $0x0  }
0x14: {  	s2 =	sld [smem:$0x3F96];
	s0 =	simm.s32 @p1 $0x1  }
0x15: {  	[smem:$0x3FB3] =	sst s0;
	s0 =	simm.s32 @!p2 $0x0  }
0x16: {  	s3 =	sld [smem:$0x3FDB];
	s0 =	simm.s32 @p2 $0x1  }
0x17: {  	s4 =	simm.s32 $0x1BF5;
	[smem:$0x3FB5] =	sst s0  }
0x18: {  	s0 =	sld [smem:$0x3F98];
	_ =	swait.ge [sflag:s4], $0x0  }
0x19: {  	s7 =	sld [smem:$0x3F99]  }
0x1a: {  	s8 =	sadd.s32 $0xFFFFE003, lr  }
0x1b: {  	s9 =	sadd.s32 $0xFFFFFEF7, lr;
	s5 =	simm.s32 $0xFFFFFFFF;
	p2 =	slt.u32 s8, $0xFFFFF086  }
0x1c: {  	p1 =	slt.u32 s9, $0xF7A;
	s5 =	simm.s32 @!p2 $0x0  }
0x1d: {  	s5 =	simm.s32 @p1 $0x1;
	p0 =	seq.s32 s7, s2  }
0x1e: {  	s7 =	smul.u32 @!p0 $0xF7A, s2;
	p2 =	seq.s32 @!p0 s5, $0x0  }
0x1f: {  	s9 =	smul.u32 $0xF7A, s1;
	s8 =	simm.s32 @!p0 $0x1BF5;
	p2 =	por !p2, p0  }
0x20: {  	[sflag:s8] =	ssyncset.s32 @!p0 $0xFFFFF086;
	s6 =	sadd.s32 @!p0 s3, s7;
	s7 =	simm.s32 @!p0 $0x108  }
0x21: {  	s3 =	sadd.s32 s3, s9;
	s6 =	sadd.s32 @!p0 $0x88, s6;
	s7 =	simm.s32 @p2 $0x1082  }
0x22: {  	[simem:s7], [sflag:s8] =	dma.local @!p0 [hbm:s6], $0xF7A  }
0x23: {  	s9 =	sor.u32 $0xD0000000, s2;
	s6 =	simm.s32 $0x108;
	_ =	swait.ge @!p0 [sflag:s8], $0x0  }
0x24: {  	s3 =	sadd.s32 $0x88, s3;
	s6 =	simm.s32 @!p1 $0x1082;
	[sflag:s4] =	ssyncset.s32 $0xFFFFF086  }
0x25: {  	[simem:s6], [sflag:s4] =	dma.local [hbm:s3], $0xF7A  }
0x26: {  	[smem:$0x3F99] =	sst s1;
	(tag) =	ssettag s2;
	_ =	strace s9  }
0x27: {  	s1 =	sld [smem:$0x3FA9]  }
0x28: {  	s2 =	sld [smem:$0x3FAA]  }
0x29: {  	s4 =	sld [smem:$0x3FAC]  }
0x2a: {  	p0 =	seq.s32 s5, $0x0;
	s5 =	sld [smem:$0x3FAD]  }
0x2b: {  	s6 =	sld [smem:$0x3FAE]  }
0x2c: {  	s7 =	sld [smem:$0x3FAF]  }
0x2d: {  	s3 =	simm.s32 $0x108;
	s8 =	sld [smem:$0x3FB0]  }
0x2e: {  	s3 =	simm.s32 @!p0 $0x1082;
	s9 =	sld [smem:$0x3FB1]  }
0x2f: {  	lr =	sadd.s32 s0, s3;
	s0 =	sld [smem:$0x3FA8]  }
0x30: {  	s3 =	sld [smem:$0x3FAB]  }
0x31: {  	[smem:$0x3FB4] =	sst s10  }
0x32: {  	s10 =	sld [smem:$0x3FB2];
	_ =	sdelay $0x3  }
0x33: {  	p0 =	seq.s32 s10, $0x1;
	s10 =	sld [smem:$0x3FB4];
	_ =	sdelay $0x3  }
0x34: {  	[smem:$0x3FB4] =	sst s10  }
0x35: {  	s10 =	sld [smem:$0x3FB3];
	_ =	sdelay $0x3  }
0x36: {  	p1 =	seq.s32 s10, $0x1;
	s10 =	sld [smem:$0x3FB4];
	_ =	sdelay $0x3  }
0x37: {  	[smem:$0x3FB4] =	sst s10  }
0x38: {  	s10 =	sld [smem:$0x3FB5]  }
0x39: {  	_ = 	snop;
	(pc) =	sbr.ind lr, $3  }
0x3a: {  	_ = 	snop  }
0x3b: {  	_ = 	snop  }
0x3c: {  	p2 =	seq.s32 s10, $0x1;
	s10 =	sld [smem:$0x3FB4]  }
0x3d: {  	_ =	shalt  }
0x3e: {  	_ =	shalt  }
0x3f: {  	_ =	shalt  }
0x40: {  	_ =	shalt  }
0x41: {  	_ =	shalt  }
0x42: {  	_ =	shalt  }
0x43: {  	_ =	shalt  }
0x44: {  	_ =	shalt  }
0x45: {  	_ =	shalt  }
0x46: {  	_ =	shalt  }
0x47: {  	_ =	shalt  }
0x48: {  	_ =	shalt  }
0x49: {  	_ =	shalt  }
0x4a: {  	_ =	shalt  }
0x4b: {  	_ =	shalt  }
0x4c: {  	_ =	shalt  }
0x4d: {  	_ =	shalt  }
0x4e: {  	_ =	shalt  }
0x4f: {  	_ =	shalt  }
0x50: {  	_ =	shalt  }
0x51: {  	_ =	shalt  }
0x52: {  	_ =	shalt  }
0x53: {  	_ =	shalt  }
0x54: {  	_ =	shalt  }
0x55: {  	_ =	shalt  }
0x56: {  	_ =	shalt  }
0x57: {  	_ =	shalt  }
0x58: {  	_ =	shalt  }
0x59: {  	_ =	shalt  }
0x5a: {  	_ =	shalt  }
0x5b: {  	_ =	shalt  }
0x5c: {  	_ =	shalt  }
0x5d: {  	_ =	shalt  }
0x5e: {  	_ =	shalt  }
0x5f: {  	_ =	shalt  }
0x60: {  	_ =	shalt  }
0x61: {  	_ =	shalt  }
0x62: {  	_ =	shalt  }
0x63: {  	_ =	shalt  }
0x64: {  	_ =	shalt  }
0x65: {  	_ =	shalt  }
0x66: {  	_ =	shalt  }
0x67: {  	_ =	shalt  }
0x68: {  	_ =	shalt  }
0x69: {  	_ =	shalt  }
0x6a: {  	_ =	shalt  }
0x6b: {  	_ =	shalt  }
0x6c: {  	_ =	shalt  }
0x6d: {  	_ =	shalt  }
0x6e: {  	_ =	shalt  }
0x6f: {  	_ =	shalt  }
0x70: {  	_ =	shalt  }
0x71: {  	_ =	shalt  }
0x72: {  	_ =	shalt  }
0x73: {  	_ =	shalt  }
0x74: {  	_ =	shalt  }
0x75: {  	_ =	shalt  }
0x76: {  	_ =	shalt  }
0x77: {  	_ =	shalt  }
0x78: {  	_ =	shalt  }
0x79: {  	_ =	shalt  }
0x7a: {  	_ =	shalt  }
0x7b: {  	_ =	shalt  }
0x7c: {  	_ =	shalt  }
0x7d: {  	_ =	shalt  }
0x7e: {  	_ =	shalt  }
0x7f: {  	_ =	shalt  }
0x80: {  	_ =	shalt  }
0x81: {  	_ =	shalt  }
0x82: {  	_ =	shalt  }
0x83: {  	_ =	shalt  }
0x84: {  	_ =	shalt  }
0x85: {  	_ =	shalt  }
0x86: {  	_ =	shalt  }
0x87: {  	_ =	shalt  }
.Lfunc_end0:
.L_simem_size_0:
called_computation.1_lowered:
.L_overlay_start_0:
0x88: {  	s2 =	sld [smem:$0x3FD9]  }
0x89: {  	s3 =	sld [smem:$0x3FFE];
	_ =	sdelay $0x1  }
0x8a: {  	s1 =	srdreg.scid  }
0x8b: {  	s0 =	sand.u32 $0x1, s1  }
0x8c: {  	s17 =	sshll.u32 s0, $0xA;
	s2 =	sadd.s32 s3, s2  }
0x8d: {  	s2 =	sadd.s32 s2, s17  }
0x8e: {  	[smem:$0x3FC0] =	sst s2  }
0x8f: {  	_ = 	snop  }
0x90: {  	s2 =	sld [smem:$0x3FC9];
	(tm) =	ssettm $0x1  }
0x91: {  	s18 =	sld [smem:$0x3FFB];
	_ =	sdelay $0x3  }
0x92: {  	_ =	strace s18  }
0x93: {  	s3 =	sld [smem:$0x3FFC];
	_ =	sdelay $0x3  }
0x94: {  	_ =	strace s3  }
0x95: {  	s3 =	sld [smem:$0x3FFD];
	_ =	sdelay $0x3  }
0x96: {  	_ =	strace s3  }
0x97: {  	_ =	strace $0x8FFFFFFF  }
0x98: {  	s19 =	sld [smem:$0x3FDB];
	_ =	sdelay $0x1  }
0x99: {  	s4 =	simm.s32 $_scs_section_size  }
0x9a: {  	s5 =	simm.s32 $_size__tile_overlayer_lowered;
	s6 =	simm.s32 $_tile_overlayer_lowered  }
0x9b: {  	s22 =	simm.s32 $0x1BFF;
	s21 =	sshll.u32 s6, $0x1;
	s3 =	sadd.s32 s4, s19  }
0x9c: {  	s7 =	simm.s32 $0x0;
	s20 =	sshll.u32 s5, $0x1;
	s5 =	sadd.s32 s21, s3  }
0x9d: {  	[timem:s7], [sflag:s22] =	dma.local [hbm:s5], s20  }
0x9e: {  	_ =	swait.ge [sflag:s22], s20  }
0x9f: {  	s4 =	ssub.s32 $0x0, s20;
	[sflag:s22] =	ssyncset.done $0x0  }
0xa0: {  	[sflag:s22] =	ssyncadd.s32 s4;
	_ =	sdelay $0x1  }
0xa1: {  	s23 =	simm.s32 $0x1B8B  }
0xa2: {  	_ =	swait.ge [sflag:s23], $0x1  }
0xa3: {  	[sflag:s23] =	ssyncset.done $0x0  }
0xa4: {  	s25 =	simm.s32 $0x1B8E;
	s24 =	sld [smem:$0x3FFE];
	[sflag:s23] =	ssyncadd.s32 $0xFFFFFFFF  }
0xa5: {  	s26 =	simm.s32 $execute0_lowered;
	[smem:$0x3FD2] =	sst s25  }
0xa6: {  	s5 =	sshll.u32 s26, $0x1;
	_ =	strace $0x80000049;
	[dreg:$0x1] =	wrdreg $0xFFFFFFFF  }
0xa7: {  	s28 =	simm.s32 $_size_execute0_lowered;
	s3 =	sadd.s32 s3, s5;
	[dreg:$0x0] =	wrdreg $0x0  }
0xa8: {  	s5 =	sshll.u32 s28, $0x1;
	[dreg:$0x2] =	wrdreg s3  }
0xa9: {  	[dreg:$0x3] =	wrdreg s5  }
0xaa: {  	[dreg:$0x4] =	wrdreg $0xC0  }
0xab: {  	_ =	task [dreg:s7], $0x5FFFF  }
0xac: {  	[dreg:$0x1] =	wrdreg $0xFFFFFFFF  }
0xad: {  	[dreg:$0x0] =	wrdreg $0x60  }
0xae: {  	[dreg:$0x2] =	wrdreg s2  }
0xaf: {  	[dreg:$0x3] =	wrdreg s24  }
0xb0: {  	[dreg:$0x4] =	wrdreg $0x0  }
0xb1: {  	[dreg:$0x5] =	wrdreg $0x9  }
0xb2: {  	_ =	task.clear_ibuf [dreg:s7], $0x6FFFF;
	_ =	strace $0x90000049  }
0xb3: {  	s29 =	simm.s32 $0x9;
	_ =	strace $0x8000004B  }
0xb4: {  	_ =	swait.ge [sflag:s29], $0x1  }
0xb5: {  	[sflag:s29] =	ssyncadd.s32 $0xFFFFFFFF  }
0xb6: {  	_ =	strace $0x9000004B  }
0xb7: {  	_ =	sfence  }
0xb8: {  	s30 =	sld [smem:$0x0];
	_ =	sdelay $0x2  }
0xb9: {  	s31 =	sshll.u32 s1, $0xD;
	s1 =	sshrl.u32 s1, $0x2  }
0xba: {  	s3 =	sand.u32 $0x4000, s31;
	s1 =	sadd.s32 s1, s30  }
0xbb: {  	s0 =	sor.u32 s3, s0;
	s1 =	sshll.u32 s1, $0x11  }
0xbc: {  	s0 =	sor.u32 s1, s0  }
0xbd: {  	s0 =	sadd.s32 $0x8F2B, s0  }
0xbe: {  	[sflag:s0] =	ssyncadd.remote.s32 $0x1  }
0xbf: {  	_ =	sfence.sel $0xFFFF  }
0xc0: {  	[dreg:$0x0] =	wrdreg $0xFFFFFFFF;
	(pc) =	sbr.abs _section_cstart, $3  }
0xc1: {  	[dreg:$0x1] =	wrdreg $0xFFFFFFFF  }
0xc2: {  	_ =	task.clear_ibuf [dreg:s7], $0x2FFFF;
	_ =	strace $0x9FFFFFFF  }
0xc3: {  	(tm) =	ssettm $0x7FFFFFFF  }
tec
execute0_lowered:
.L_overlay_start_1:
0x0: {  	(tag) =	ssettag $0x1  }
0x1: {  	s1 =	rddreg [dreg:$0x0]  }
0x2: {  	s0 =	rddreg [dreg:$0x1]  }
0x3: {  	s2 =	rddreg [dreg:$0x2];
	s3 =	simm.s32 $0x0;
	s7 =	srdreg.scid  }
0x4: {  	s9 =	stileid.u32;
	s28 =	simm.s32 $0x13980;
	s29 =	simm.s32 $0x17980  }
0x5: {  	s30 =	simm.s32 $0x17A00;
	s31 =	simm.s32 $0x4;
	[smem:$0x7FF] =	sst s3  }
0x6: {  	s4 =	sadd.s32 $0xBE00, s0;
	s5 =	sadd.s32 $0x2000, s0;
	s6 =	sadd.s32 $0x15C00, s0  }
0x7: {  	s7 =	sand.u32 $0x1, s7;
	s11 =	smul.u32 $0x4E000, s9;
	s0 =	sadd.s32 $0x66600, s0  }
0x8: {  	s13 =	sshll.u32 s9, $0x6;
	s16 =	sadd.s32 $0x138000, s2;
	s14 =	smul.u32 $0x13800, s9  }
0x9: {  	s21 =	smul.u32 $0x2710, s9;
	p0 =	sne.s32 s9, $0x0;
	_ =	strace $0x8000004A  }
0xa: {  	s8 =	ssub.s32 $0x2, s7;
	s10 =	sshll.u32 s7, $0x4;
	s17 =	smul.u32 $0x138800, s7  }
0xb: {  	[dreg:$0x5] =	wrdreg s16;
	s7 =	smul.u32 $0x27100, s7;
	s12 =	sshrl.u32 s8, $0x1  }
0xc: {  	s10 =	sor.u32 s9, s10;
	s11 =	sshrl.u32 s11, $0x2;
	s9 =	simm.s32 $0x2  }
0xd: {  	s10 =	smul.u32 $0x2710, s10;
	s12 =	ssub.s32 s8, s12;
	s15 =	sadd.s32 s11, s2  }
0xe: {  	s8 =	sor.u32 $0x1C05, s13;
	s23 =	sadd.s32 s14, s17;
	s11 =	sshrl.u32 s17, $0x3  }
0xf: {  	s7 =	sadd.s32 s21, s7;
	s14 =	simm.s32 $0x0;
	[dreg:$0x4] =	wrdreg s15  }
0x10: {  	s24 =	sadd.s32 $0x180, s7;
	s25 =	smax.u32 s12, $0x1;
	s10 =	sshrl.u32 s10, $0x3  }
0x11: {  	s21 =	sadd.s32 $0x100, s7;
	[dreg:$0xe] =	wrdreg s25;
	s18 =	sadd.s32 s4, s10  }
0x12: {  	s19 =	sadd.s32 $0x10, s10;
	s15 =	sadd.s32 s5, s10;
	[dreg:$0x6] =	wrdreg s18  }
0x13: {  	s7 =	simm.s32 $0x1;
	[dreg:$0x7] =	wrdreg s15;
	s20 =	sadd.s32 s4, s19  }
0x14: {  	s10 =	sadd.s32 $0x4E0, s10;
	s13 =	sadd.s32 s5, s19;
	[dreg:$0x8] =	wrdreg s20  }
0x15: {  	s26 =	sshrl.u32 s24, $0x3;
	s22 =	sadd.s32 s4, s10;
	[dreg:$0x9] =	wrdreg s13  }
0x16: {  	s24 =	simm.s32 $0x13900;
	s10 =	sadd.s32 s5, s10;
	[dreg:$0xa] =	wrdreg s22  }
0x17: {  	s25 =	simm.s32 $0x3;
	s19 =	sadd.s32 s26, s5;
	[dreg:$0xb] =	wrdreg s10  }
0x18: {  	s10 =	sshrl.u32 s23, $0x3;
	s20 =	sadd.s32 s26, s4;
	s22 =	simm.s32 $0x5  }
0x19: {  	s23 =	simm.s32 $0x13880;
	s10 =	sadd.s32 s0, s10;
	s0 =	sadd.s32 s0, s11  }
0x1a: {  	s26 =	simm.s32 $0x80;
	[dreg:$0xc] =	wrdreg s10;
	s0 =	sadd.s32 $0x27000, s0  }
0x1b: {  	s13 =	simm.s32 $0x1BB80;
	[dreg:$0xd] =	wrdreg s0;
	s0 =	simm.s32 $0x17A80  }
.LBB2_1:
0x1c: {  	s10 =	rddreg [dreg:$0x4]  }
0x1d: {  	s15 =	sshrl.u32 s10, $0x3  }
0x1e: {  	[spmem:s15], [sflag:s8] =	dma.local [hbm:s6], $0x2700  }
0x1f: {  	_ =	swait.ge [sflag:s22], $0x2700  }
0x20: {  	[sflag:s22] =	ssyncset.done $0x0;
	s10 =	rddreg [dreg:$0x5]  }
0x21: {  	s17 =	simm.s32 @!p0 $0x5;
	[sflag:s22] =	ssyncadd.s32 $0xFFFFD900;
	s16 =	sshrl.u32 @!p0 s10, $0x3  }
0x22: {  	[spmem:s16], [sflag:s8] =	dma.local @!p0 [hbm:s6], $0x100  }
0x23: {  	_ =	swait.ge @!p0 [sflag:s17], $0x100  }
0x24: {  	[sflag:s17] =	ssyncset.done @!p0 $0x0  }
0x25: {  	[sflag:s17] =	ssyncadd.s32 @!p0 $0xFFFFFF00  }
0x26: {  	[bflag:$0x0] =	sbarrier.arrive $0xFFFF  }
0x27: {  	s11 =	rddreg [dreg:$0x6]  }
0x28: {  	[tilespmem:s23], [sflag:$0x3] =	stream.linear.gather [hbm4b:s11+s3], $0x80, $0x38;
	[tilespmem:$0x1C380] =	vst v63  }
0x29: {  	s12 =	rddreg [dreg:$0x7]  }
0x2a: {  	[tilespmem:s24], [sflag:$0x3] =	stream.linear.gather [hbm4b:s12+s3], $0x80, $0x38;
	[tilespmem:$0x1C380] =	vst v63  }
0x2b: {  	_ =	swait.ge [sflag:s25], $0x80  }
0x2c: {  	[sflag:s25] =	ssyncset.done $0x0  }
0x2d: {  	[sflag:s25] =	ssyncadd.s32 $0xFFFFFF80  }
0x2e: {  	_ =	swait.ge [sflag:s25], $0x80  }
0x2f: {  	[sflag:s25] =	ssyncset.done $0x0  }
0x30: {  	[sflag:s25] =	ssyncadd.s32 $0xFFFFFF80  }
0x31: {  	[tilespmem:s28], [sflag:$0x1] =	stream.indirect.gather [hbm4b:s1+s26], $0x80, s23, s26, $0xb8;
	[tilespmem:$0x1C380] =	vst v63  }
0x32: {  	s17 =	rddreg [dreg:$0x8]  }
0x33: {  	[tilespmem:s29], [sflag:$0x4] =	stream.linear.gather [hbm4b:s17+s3], $0x80, $0x38;
	[tilespmem:$0x1C380] =	vst v63  }
0x34: {  	s18 =	rddreg [dreg:$0x9]  }
0x35: {  	[tilespmem:s30], [sflag:$0x4] =	stream.linear.gather [hbm4b:s18+s3], $0x80, $0x38;
	[tilespmem:$0x1C380] =	vst v63  }
0x36: {  	_ =	swait.ge [sflag:s31], $0x80  }
0x37: {  	[sflag:s31] =	ssyncset.done $0x0  }
0x38: {  	[sflag:s31] =	ssyncadd.s32 $0xFFFFFF80  }
0x39: {  	_ =	swait.ge [sflag:s31], $0x80  }
0x3a: {  	[sflag:s31] =	ssyncset.done $0x0  }
0x3b: {  	[sflag:s31] =	ssyncadd.s32 $0xFFFFFF80  }
0x3c: {  	[tilespmem:s0], [sflag:$0x2] =	stream.indirect.gather [hbm4b:s1+s26], $0x80, s29, s26, $0xb8;
	[tilespmem:$0x1C380] =	vst v63  }
0x3d: {  	_ =	swait.ge [sflag:s7], $0x4000  }
0x3e: {  	[sflag:s7] =	ssyncset.done $0x0  }
0x3f: {  	[sflag:s7] =	ssyncadd.s32 $0xFFFFC000  }
0x40: {  	[spmem:s2] =	stream.indirect.scatter.add.f32 [tilespmem:s28], [sflag:$0x5], $0x80, s24, s26, $0xb8;
	[tilespmem:$0x1C380] =	vst v63  }
0x41: {  	_ =	swait.ge [sflag:s22], $0x4000  }
0x42: {  	s11 =	sshrl.u32 s21, $0x3;
	[sflag:s22] =	ssyncset.done $0x0  }
0x43: {  	s18 =	sadd.s32 s4, s11;
	[sflag:s22] =	ssyncadd.s32 $0xFFFFC000  }
0x44: {  	[tilespmem:s23], [sflag:$0x3] =	stream.linear.gather [hbm4b:s18+s3], $0x80, $0x38;
	[tilespmem:$0x1C380] =	vst v63  }
0x45: {  	s17 =	sadd.s32 s5, s11  }
0x46: {  	[tilespmem:s24], [sflag:$0x3] =	stream.linear.gather [hbm4b:s17+s3], $0x80, $0x38;
	[tilespmem:$0x1C380] =	vst v63  }
0x47: {  	_ =	swait.ge [sflag:s9], $0x4000  }
0x48: {  	[sflag:s9] =	ssyncset.done $0x0  }
0x49: {  	[sflag:s9] =	ssyncadd.s32 $0xFFFFC000  }
0x4a: {  	[spmem:s2] =	stream.indirect.scatter.add.f32 [tilespmem:s0], [sflag:$0x5], $0x80, s30, s26, $0xb8;
	[tilespmem:$0x1C380] =	vst v63  }
0x4b: {  	_ =	swait.ge [sflag:s22], $0x4000  }
0x4c: {  	[sflag:s22] =	ssyncset.done $0x0  }
0x4d: {  	s12 =	sadd.s32 $0x0, s20;
	[sflag:s22] =	ssyncadd.s32 $0xFFFFC000  }
0x4e: {  	[tilespmem:s29], [sflag:$0x4] =	stream.linear.gather [hbm4b:s12+s3], $0x80, $0x38;
	[tilespmem:$0x1C380] =	vst v63  }
0x4f: {  	s18 =	sadd.s32 $0x0, s19  }
0x50: {  	[tilespmem:s30], [sflag:$0x4] =	stream.linear.gather [hbm4b:s18+s3], $0x80, $0x38;
	[tilespmem:$0x1C380] =	vst v63  }
0x51: {  	_ =	swait.ge [sflag:s25], $0x80  }
0x52: {  	[sflag:s25] =	ssyncset.done $0x0  }
0x53: {  	[sflag:s25] =	ssyncadd.s32 $0xFFFFFF80  }
0x54: {  	_ =	swait.ge [sflag:s25], $0x80  }
0x55: {  	[sflag:s25] =	ssyncset.done $0x0  }
0x56: {  	s17 =	simm.s32 $0x20;
	s18 =	sadd.s32 $0x100, s21;
	[sflag:s25] =	ssyncadd.s32 $0xFFFFFF80  }
.LBB2_2:
0x57: {  	[tilespmem:s28], [sflag:$0x1] =	stream.indirect.gather [hbm4b:s1+s26], $0x80, s23, s26, $0xb8;
	[tilespmem:$0x1C380] =	vst v63  }
0x58: {  	s10 =	smov.u32 s17  }
0x59: {  	p1 =	sne.s32 s17, $0x4A0;
	s17 =	sadd.s32 $0x20, s17;
	_ =	swait.ge [sflag:s31], $0x80  }
0x5a: {  	[sflag:s31] =	ssyncset.done $0x0  }
0x5b: {  	[sflag:s31] =	ssyncadd.s32 $0xFFFFFF80  }
0x5c: {  	_ =	swait.ge [sflag:s31], $0x80  }
0x5d: {  	[sflag:s31] =	ssyncset.done $0x0  }
0x5e: {  	[sflag:s31] =	ssyncadd.s32 $0xFFFFFF80  }
0x5f: {  	[tilespmem:s0], [sflag:$0x2] =	stream.indirect.gather [hbm4b:s1+s26], $0x80, s29, s26, $0xb8;
	[tilespmem:$0x1C380] =	vst v63  }
0x60: {  	_ =	swait.ge [sflag:s7], $0x4000  }
0x61: {  	[sflag:s7] =	ssyncset.done $0x0  }
0x62: {  	[sflag:s7] =	ssyncadd.s32 $0xFFFFC000  }
0x63: {  	[spmem:s2] =	stream.indirect.scatter.add.f32 [tilespmem:s28], [sflag:$0x5], $0x80, s24, s26, $0xb8;
	[tilespmem:$0x1C380] =	vst v63  }
0x64: {  	_ =	swait.ge [sflag:s22], $0x4000  }
0x65: {  	s11 =	sshrl.u32 s18, $0x3;
	[sflag:s22] =	ssyncset.done $0x0  }
0x66: {  	s12 =	sadd.s32 s4, s11;
	[sflag:s22] =	ssyncadd.s32 $0xFFFFC000  }
0x67: {  	[tilespmem:s23], [sflag:$0x3] =	stream.linear.gather [hbm4b:s12+s3], $0x80, $0x38;
	[tilespmem:$0x1C380] =	vst v63  }
0x68: {  	s11 =	sadd.s32 s5, s11  }
0x69: {  	[tilespmem:s24], [sflag:$0x3] =	stream.linear.gather [hbm4b:s11+s3], $0x80, $0x38;
	[tilespmem:$0x1C380] =	vst v63  }
0x6a: {  	_ =	swait.ge [sflag:s9], $0x4000  }
0x6b: {  	[sflag:s9] =	ssyncset.done $0x0  }
0x6c: {  	[sflag:s9] =	ssyncadd.s32 $0xFFFFC000  }
0x6d: {  	[spmem:s2] =	stream.indirect.scatter.add.f32 [tilespmem:s0], [sflag:$0x5], $0x80, s30, s26, $0xb8;
	[tilespmem:$0x1C380] =	vst v63  }
0x6e: {  	_ =	swait.ge [sflag:s22], $0x4000  }
0x6f: {  	[sflag:s22] =	ssyncset.done $0x0  }
0x70: {  	s11 =	sadd.s32 s10, s20;
	[sflag:s22] =	ssyncadd.s32 $0xFFFFC000  }
0x71: {  	[tilespmem:s29], [sflag:$0x4] =	stream.linear.gather [hbm4b:s11+s3], $0x80, $0x38;
	[tilespmem:$0x1C380] =	vst v63  }
0x72: {  	s10 =	sadd.s32 s10, s19  }
0x73: {  	[tilespmem:s30], [sflag:$0x4] =	stream.linear.gather [hbm4b:s10+s3], $0x80, $0x38;
	[tilespmem:$0x1C380] =	vst v63  }
0x74: {  	_ =	swait.ge [sflag:s25], $0x80  }
.Ltmp0:
0x75: {  	[sflag:s25] =	ssyncset.done $0x0;
	(pc) =	sbr.rel @p1 .LBB2_2-.Ltmp0, $4  }
0x76: {  	[sflag:s25] =	ssyncadd.s32 $0xFFFFFF80  }
0x77: {  	_ =	swait.ge [sflag:s25], $0x80  }
0x78: {  	[sflag:s25] =	ssyncset.done $0x0  }
0x79: {  	s18 =	sadd.s32 $0x100, s18;
	[sflag:s25] =	ssyncadd.s32 $0xFFFFFF80  }
0x7a: {  	[tilespmem:s28], [sflag:$0x1] =	stream.indirect.gather [hbm4b:s1+s26], $0x80, s23, s26, $0xb8;
	[tilespmem:$0x1C380] =	vst v63  }
0x7b: {  	_ =	swait.ge [sflag:s31], $0x80  }
0x7c: {  	[sflag:s31] =	ssyncset.done $0x0  }
0x7d: {  	[sflag:s31] =	ssyncadd.s32 $0xFFFFFF80  }
0x7e: {  	_ =	swait.ge [sflag:s31], $0x80  }
0x7f: {  	[sflag:s31] =	ssyncset.done $0x0  }
0x80: {  	[sflag:s31] =	ssyncadd.s32 $0xFFFFFF80  }
0x81: {  	[tilespmem:s0], [sflag:$0x2] =	stream.indirect.gather [hbm4b:s1+s26], $0x80, s29, s26, $0xb8;
	[tilespmem:$0x1C380] =	vst v63  }
0x82: {  	_ =	swait.ge [sflag:s7], $0x4000  }
0x83: {  	[sflag:s7] =	ssyncset.done $0x0  }
0x84: {  	[sflag:s7] =	ssyncadd.s32 $0xFFFFC000  }
0x85: {  	[spmem:s2] =	stream.indirect.scatter.add.f32 [tilespmem:s28], [sflag:$0x5], $0x80, s24, s26, $0xb8;
	[tilespmem:$0x1C380] =	vst v63  }
0x86: {  	_ =	swait.ge [sflag:s22], $0x4000  }
0x87: {  	[sflag:s22] =	ssyncset.done $0x0  }
0x88: {  	[sflag:s22] =	ssyncadd.s32 $0xFFFFC000  }
0x89: {  	_ =	swait.ge [sflag:s9], $0x4000  }
0x8a: {  	[sflag:s9] =	ssyncset.done $0x0  }
0x8b: {  	[sflag:s9] =	ssyncadd.s32 $0xFFFFC000  }
0x8c: {  	[spmem:s2] =	stream.indirect.scatter.add.f32 [tilespmem:s0], [sflag:$0x5], $0x80, s30, s26, $0xb8;
	[tilespmem:$0x1C380] =	vst v63  }
0x8d: {  	_ =	swait.ge [sflag:s22], $0x4000  }
0x8e: {  	[sflag:s22] =	ssyncset.done $0x0  }
0x8f: {  	s11 =	simm.s32 $0x1BA80;
	s10 =	rddreg [dreg:$0xa];
	[sflag:s22] =	ssyncadd.s32 $0xFFFFC000  }
0x90: {  	[tilespmem:s11], [sflag:$0x5] =	stream.linear.gather [hbm4b:s10+s3], $0x10, $0x38;
	[tilespmem:$0x1C380] =	vst v63  }
0x91: {  	_ =	swait.ge [sflag:s22], $0x10  }
0x92: {  	[sflag:s22] =	ssyncset.done $0x0  }
0x93: {  	s12 =	simm.s32 $0x1BB00;
	s17 =	rddreg [dreg:$0xb];
	[sflag:s22] =	ssyncadd.s32 $0xFFFFFFF0  }
0x94: {  	[tilespmem:s12], [sflag:$0x5] =	stream.linear.gather [hbm4b:s17+s3], $0x10, $0x38;
	[tilespmem:$0x1C380] =	vst v63  }
0x95: {  	_ =	swait.ge [sflag:s22], $0x10  }
0x96: {  	[sflag:s22] =	ssyncset.done $0x0  }
0x97: {  	s18 =	simm.s32 $0x10;
	[sflag:s22] =	ssyncadd.s32 $0xFFFFFFF0  }
0x98: {  	[tilespmem:s13], [sflag:$0x1] =	stream.indirect.gather [hbm4b:s1+s18], $0x80, s11, s18, $0xb8;
	[tilespmem:$0x1C380] =	vst v63  }
0x99: {  	_ =	swait.ge [sflag:s7], $0x800  }
0x9a: {  	[sflag:s7] =	ssyncset.done $0x0  }
0x9b: {  	[sflag:s7] =	ssyncadd.s32 $0xFFFFF800  }
0x9c: {  	[spmem:s2] =	stream.indirect.scatter.add.f32 [tilespmem:s13], [sflag:$0x5], $0x80, s12, s18, $0xb8;
	[tilespmem:$0x1C380] =	vst v63  }
0x9d: {  	_ =	swait.ge [sflag:s22], $0x800  }
0x9e: {  	[sflag:s22] =	ssyncset.done $0x0  }
0x9f: {  	[sflag:s22] =	ssyncadd.s32 $0xFFFFF800  }
0xa0: {  	[bflag:$0x0] =	sbarrier.arrive $0xFFFF  }
0xa1: {  	s17 =	rddreg [dreg:$0xc]  }
0xa2: {  	[hbm:s17], [sflag:s8] =	dma.local [spmem:s15], $0x2700  }
0xa3: {  	_ =	swait.ge [sflag:s22], $0x2700  }
0xa4: {  	[sflag:s22] =	ssyncset.done $0x0  }
0xa5: {  	s10 =	rddreg [dreg:$0xd];
	[sflag:s22] =	ssyncadd.s32 $0xFFFFD900  }
0xa6: {  	[hbm:s10], [sflag:s8] =	dma.local @!p0 [spmem:s16], $0x100  }
0xa7: {  	s10 =	simm.s32 @!p0 $0x5  }
0xa8: {  	_ =	swait.ge @!p0 [sflag:s10], $0x100  }
0xa9: {  	s14 =	sadd.s32 $0x1, s14;
	s18 =	rddreg [dreg:$0xe]  }
0xaa: {  	p1 =	sne.s32 s14, s18  }
.Ltmp1:
0xab: {  	_ = 	snop;
	(pc) =	sbr.rel @p1 .LBB2_1-.Ltmp1, $3  }
0xac: {  	_ =	sdelay $0x1  }
0xad: {  	[sflag:s10] =	ssyncset.done @!p0 $0x0  }
0xae: {  	[sflag:s10] =	ssyncadd.s32 @!p0 $0xFFFFFF00  }
0xaf: {  	_ =	sfence.sel $0x180000  }
0xb0: {  	[bflag:$0x0] =	sbarrier.arrive $0xFFFF  }
0xb1: {  	_ =	strace $0x9000004A  }
0xb2: {  	[bflag:$0x2] =	sbarrier.arrive $0xFFFF  }
0xb3: {  	s0 =	rddreg [dreg:$0x3]  }
0xb4: {  	s0 =	sadd.s32 @!p0 $0x100000, s0  }
0xb5: {  	[sflag:s0] =	ssyncadd.tile.s32 @!p0 $0x1;
	_ =	shalt  }
.Lfunc_end2:
_tile_overlayer_lowered:
.L_overlay_start_2:
0xb6: {  	(tag) =	ssettag $0x2  }
0xb7: {  	s0 =	rddreg [dreg:$0x0];
	s2 =	stileid.u32  }
0xb8: {  	s1 =	rddreg [dreg:$0x1];
	p0 =	sne.s32 s2, $0x0  }
0xb9: {  	s3 =	rddreg [dreg:$0x2];
	[bflag:$0x3] =	sbarrier.arrive $0xFFFF;
	s2 =	simm.s32 @!p0 $0x1C05  }
0xba: {  	[timem:s3], [sflag:s2] =	dma.local @!p0 [hbm:s0], s1  }
0xbb: {  	s0 =	simm.s32 @!p0 $0x5  }
0xbc: {  	_ =	swait.ge @!p0 [sflag:s0], s1  }
0xbd: {  	s1 =	ssub.s32 @!p0 $0x0, s1;
	[sflag:s0] =	ssyncset.done @!p0 $0x0  }
0xbe: {  	[sflag:s0] =	ssyncadd.s32 @!p0 s1  }
0xbf: {  	[bflag:$0x3] =	sbarrier.arrive $0xFFFF  }
0xc0: {  	_ =	shalt  }

// kernel: kernel.13.cloned.1.call-start
scs
__scs_entry_jumppad:
0x0: {  	(pc) =	sbr.rel $0x88, $3  }
0x1: {  	(tag) =	ssettag $0x0;
	lr =	simm.s32 $0x1  }
0x2: {  	[smem:$0x3F99] =	sst lr;
	_ =	strace $0xD0000000  }
0x3: {  	_ = 	snop  }
0x4: {  	_ = 	snop  }
0x5: {  	_ = 	snop  }
0x6: {  	_ = 	snop  }
0x7: {  	_ = 	snop  }
__scs_overlays_trampoline_lowered:
0x8: {  	[smem:$0x3FA8] =	sst s0  }
0x9: {  	[smem:$0x3FA9] =	sst s1  }
0xa: {  	[smem:$0x3FAA] =	sst s2  }
0xb: {  	[smem:$0x3FAB] =	sst s3  }
0xc: {  	[smem:$0x3FAC] =	sst s4  }
0xd: {  	[smem:$0x3FAD] =	sst s5  }
0xe: {  	[smem:$0x3FAE] =	sst s6  }
0xf: {  	[smem:$0x3FAF] =	sst s7  }
0x10: {  	[smem:$0x3FB0] =	sst s8  }
0x11: {  	[smem:$0x3FB1] =	sst s9;
	s0 =	simm.s32 @!p0 $0x0  }
0x12: {  	s1 =	sld [smem:$0x3F97];
	s0 =	simm.s32 @p0 $0x1  }
0x13: {  	[smem:$0x3FB2] =	sst s0;
	s0 =	simm.s32 @!p1 $0x0  }
0x14: {  	s2 =	sld [smem:$0x3F96];
	s0 =	simm.s32 @p1 $0x1  }
0x15: {  	[smem:$0x3FB3] =	sst s0;
	s0 =	simm.s32 @!p2 $0x0  }
0x16: {  	s3 =	sld [smem:$0x3FDB];
	s0 =	simm.s32 @p2 $0x1  }
0x17: {  	s4 =	simm.s32 $0x1BF5;
	[smem:$0x3FB5] =	sst s0  }
0x18: {  	s0 =	sld [smem:$0x3F98];
	_ =	swait.ge [sflag:s4], $0x0  }
0x19: {  	s7 =	sld [smem:$0x3F99]  }
0x1a: {  	s8 =	sadd.s32 $0xFFFFE003, lr  }
0x1b: {  	s9 =	sadd.s32 $0xFFFFFEF7, lr;
	s5 =	simm.s32 $0xFFFFFFFF;
	p2 =	slt.u32 s8, $0xFFFFF086  }
0x1c: {  	p1 =	slt.u32 s9, $0xF7A;
	s5 =	simm.s32 @!p2 $0x0  }
0x1d: {  	s5 =	simm.s32 @p1 $0x1;
	p0 =	seq.s32 s7, s2  }
0x1e: {  	s7 =	smul.u32 @!p0 $0xF7A, s2;
	p2 =	seq.s32 @!p0 s5, $0x0  }
0x1f: {  	s9 =	smul.u32 $0xF7A, s1;
	s8 =	simm.s32 @!p0 $0x1BF5;
	p2 =	por !p2, p0  }
0x20: {  	[sflag:s8] =	ssyncset.s32 @!p0 $0xFFFFF086;
	s6 =	sadd.s32 @!p0 s3, s7;
	s7 =	simm.s32 @!p0 $0x108  }
0x21: {  	s3 =	sadd.s32 s3, s9;
	s6 =	sadd.s32 @!p0 $0x88, s6;
	s7 =	simm.s32 @p2 $0x1082  }
0x22: {  	[simem:s7], [sflag:s8] =	dma.local @!p0 [hbm:s6], $0xF7A  }
0x23: {  	s9 =	sor.u32 $0xD0000000, s2;
	s6 =	simm.s32 $0x108;
	_ =	swait.ge @!p0 [sflag:s8], $0x0  }
0x24: {  	s3 =	sadd.s32 $0x88, s3;
	s6 =	simm.s32 @!p1 $0x1082;
	[sflag:s4] =	ssyncset.s32 $0xFFFFF086  }
0x25: {  	[simem:s6], [sflag:s4] =	dma.local [hbm:s3], $0xF7A  }
0x26: {  	[smem:$0x3F99] =	sst s1;
	(tag) =	ssettag s2;
	_ =	strace s9  }
0x27: {  	s1 =	sld [smem:$0x3FA9]  }
0x28: {  	s2 =	sld [smem:$0x3FAA]  }
0x29: {  	s4 =	sld [smem:$0x3FAC]  }
0x2a: {  	p0 =	seq.s32 s5, $0x0;
	s5 =	sld [smem:$0x3FAD]  }
0x2b: {  	s6 =	sld [smem:$0x3FAE]  }
0x2c: {  	s7 =	sld [smem:$0x3FAF]  }
0x2d: {  	s3 =	simm.s32 $0x108;
	s8 =	sld [smem:$0x3FB0]  }
0x2e: {  	s3 =	simm.s32 @!p0 $0x1082;
	s9 =	sld [smem:$0x3FB1]  }
0x2f: {  	lr =	sadd.s32 s0, s3;
	s0 =	sld [smem:$0x3FA8]  }
0x30: {  	s3 =	sld [smem:$0x3FAB]  }
0x31: {  	[smem:$0x3FB4] =	sst s10  }
0x32: {  	s10 =	sld [smem:$0x3FB2];
	_ =	sdelay $0x3  }
0x33: {  	p0 =	seq.s32 s10, $0x1;
	s10 =	sld [smem:$0x3FB4];
	_ =	sdelay $0x3  }
0x34: {  	[smem:$0x3FB4] =	sst s10  }
0x35: {  	s10 =	sld [smem:$0x3FB3];
	_ =	sdelay $0x3  }
0x36: {  	p1 =	seq.s32 s10, $0x1;
	s10 =	sld [smem:$0x3FB4];
	_ =	sdelay $0x3  }
0x37: {  	[smem:$0x3FB4] =	sst s10  }
0x38: {  	s10 =	sld [smem:$0x3FB5]  }
0x39: {  	_ = 	snop;
	(pc) =	sbr.ind lr, $3  }
0x3a: {  	_ = 	snop  }
0x3b: {  	_ = 	snop  }
0x3c: {  	p2 =	seq.s32 s10, $0x1;
	s10 =	sld [smem:$0x3FB4]  }
0x3d: {  	_ =	shalt  }
0x3e: {  	_ =	shalt  }
0x3f: {  	_ =	shalt  }
0x40: {  	_ =	shalt  }
0x41: {  	_ =	shalt  }
0x42: {  	_ =	shalt  }
0x43: {  	_ =	shalt  }
0x44: {  	_ =	shalt  }
0x45: {  	_ =	shalt  }
0x46: {  	_ =	shalt  }
0x47: {  	_ =	shalt  }
0x48: {  	_ =	shalt  }
0x49: {  	_ =	shalt  }
0x4a: {  	_ =	shalt  }
0x4b: {  	_ =	shalt  }
0x4c: {  	_ =	shalt  }
0x4d: {  	_ =	shalt  }
0x4e: {  	_ =	shalt  }
0x4f: {  	_ =	shalt  }
0x50: {  	_ =	shalt  }
0x51: {  	_ =	shalt  }
0x52: {  	_ =	shalt  }
0x53: {  	_ =	shalt  }
0x54: {  	_ =	shalt  }
0x55: {  	_ =	shalt  }
0x56: {  	_ =	shalt  }
0x57: {  	_ =	shalt  }
0x58: {  	_ =	shalt  }
0x59: {  	_ =	shalt  }
0x5a: {  	_ =	shalt  }
0x5b: {  	_ =	shalt  }
0x5c: {  	_ =	shalt  }
0x5d: {  	_ =	shalt  }
0x5e: {  	_ =	shalt  }
0x5f: {  	_ =	shalt  }
0x60: {  	_ =	shalt  }
0x61: {  	_ =	shalt  }
0x62: {  	_ =	shalt  }
0x63: {  	_ =	shalt  }
0x64: {  	_ =	shalt  }
0x65: {  	_ =	shalt  }
0x66: {  	_ =	shalt  }
0x67: {  	_ =	shalt  }
0x68: {  	_ =	shalt  }
0x69: {  	_ =	shalt  }
0x6a: {  	_ =	shalt  }
0x6b: {  	_ =	shalt  }
0x6c: {  	_ =	shalt  }
0x6d: {  	_ =	shalt  }
0x6e: {  	_ =	shalt  }
0x6f: {  	_ =	shalt  }
0x70: {  	_ =	shalt  }
0x71: {  	_ =	shalt  }
0x72: {  	_ =	shalt  }
0x73: {  	_ =	shalt  }
0x74: {  	_ =	shalt  }
0x75: {  	_ =	shalt  }
0x76: {  	_ =	shalt  }
0x77: {  	_ =	shalt  }
0x78: {  	_ =	shalt  }
0x79: {  	_ =	shalt  }
0x7a: {  	_ =	shalt  }
0x7b: {  	_ =	shalt  }
0x7c: {  	_ =	shalt  }
0x7d: {  	_ =	shalt  }
0x7e: {  	_ =	shalt  }
0x7f: {  	_ =	shalt  }
0x80: {  	_ =	shalt  }
0x81: {  	_ =	shalt  }
0x82: {  	_ =	shalt  }
0x83: {  	_ =	shalt  }
0x84: {  	_ =	shalt  }
0x85: {  	_ =	shalt  }
0x86: {  	_ =	shalt  }
0x87: {  	_ =	shalt  }
.Lfunc_end0:
.L_simem_size_0:
called_computation.2_lowered:
.L_overlay_start_0:
0x88: {  	s2 =	sld [smem:$0x3FD9]  }
0x89: {  	s3 =	sld [smem:$0x3FFE];
	_ =	sdelay $0x1  }
0x8a: {  	s1 =	srdreg.scid  }
0x8b: {  	s0 =	sand.u32 $0x1, s1  }
0x8c: {  	s17 =	sshll.u32 s0, $0xA;
	s2 =	sadd.s32 s3, s2  }
0x8d: {  	s2 =	sadd.s32 s2, s17  }
0x8e: {  	[smem:$0x3FC0] =	sst s2  }
0x8f: {  	_ = 	snop  }
0x90: {  	s2 =	sld [smem:$0x3FD0];
	(tm) =	ssettm $0x1  }
0x91: {  	s18 =	sld [smem:$0x3FFB];
	_ =	sdelay $0x3  }
0x92: {  	_ =	strace s18  }
0x93: {  	s3 =	sld [smem:$0x3FFC];
	_ =	sdelay $0x3  }
0x94: {  	_ =	strace s3  }
0x95: {  	s3 =	sld [smem:$0x3FFD];
	_ =	sdelay $0x3  }
0x96: {  	_ =	strace s3  }
0x97: {  	_ =	strace $0x8FFFFFFF  }
0x98: {  	s19 =	sld [smem:$0x3FDB];
	_ =	sdelay $0x1  }
0x99: {  	s4 =	simm.s32 $_scs_section_size  }
0x9a: {  	s5 =	simm.s32 $_size__tile_overlayer_lowered;
	s6 =	simm.s32 $_tile_overlayer_lowered  }
0x9b: {  	s22 =	simm.s32 $0x1BFF;
	s21 =	sshll.u32 s6, $0x1;
	s3 =	sadd.s32 s4, s19  }
0x9c: {  	s7 =	simm.s32 $0x0;
	s20 =	sshll.u32 s5, $0x1;
	s5 =	sadd.s32 s21, s3  }
0x9d: {  	[timem:s7], [sflag:s22] =	dma.local [hbm:s5], s20  }
0x9e: {  	_ =	swait.ge [sflag:s22], s20  }
0x9f: {  	s4 =	ssub.s32 $0x0, s20;
	[sflag:s22] =	ssyncset.done $0x0  }
0xa0: {  	[sflag:s22] =	ssyncadd.s32 s4;
	_ =	sdelay $0x1  }
0xa1: {  	s23 =	simm.s32 $0x1B8B  }
0xa2: {  	_ =	swait.ge [sflag:s23], $0x1  }
0xa3: {  	[sflag:s23] =	ssyncset.done $0x0  }
0xa4: {  	s25 =	simm.s32 $0x1B8E;
	s24 =	sld [smem:$0x3FFE];
	[sflag:s23] =	ssyncadd.s32 $0xFFFFFFFF  }
0xa5: {  	s26 =	simm.s32 $execute0_lowered;
	[smem:$0x3FD2] =	sst s25  }
0xa6: {  	s5 =	sshll.u32 s26, $0x1;
	_ =	strace $0x8000004C;
	[dreg:$0x1] =	wrdreg $0xFFFFFFFF  }
0xa7: {  	s28 =	simm.s32 $_size_execute0_lowered;
	s3 =	sadd.s32 s3, s5;
	[dreg:$0x0] =	wrdreg $0x0  }
0xa8: {  	s5 =	sshll.u32 s28, $0x1;
	[dreg:$0x2] =	wrdreg s3  }
0xa9: {  	[dreg:$0x3] =	wrdreg s5  }
0xaa: {  	[dreg:$0x4] =	wrdreg $0xC0  }
0xab: {  	_ =	task [dreg:s7], $0x5FFFF  }
0xac: {  	[dreg:$0x1] =	wrdreg $0xFFFFFFFF  }
0xad: {  	[dreg:$0x0] =	wrdreg $0x60  }
0xae: {  	[dreg:$0x2] =	wrdreg s2  }
0xaf: {  	[dreg:$0x3] =	wrdreg s24  }
0xb0: {  	[dreg:$0x4] =	wrdreg $0x0  }
0xb1: {  	[dreg:$0x5] =	wrdreg $0x9  }
0xb2: {  	_ =	task.clear_ibuf [dreg:s7], $0x6FFFF;
	_ =	strace $0x9000004C  }
0xb3: {  	s29 =	simm.s32 $0x9;
	_ =	strace $0x8000004E  }
0xb4: {  	_ =	swait.ge [sflag:s29], $0x1  }
0xb5: {  	[sflag:s29] =	ssyncadd.s32 $0xFFFFFFFF  }
0xb6: {  	_ =	strace $0x9000004E  }
0xb7: {  	_ =	sfence  }
0xb8: {  	s30 =	sld [smem:$0x0];
	_ =	sdelay $0x2  }
0xb9: {  	s31 =	sshll.u32 s1, $0xD;
	s1 =	sshrl.u32 s1, $0x2  }
0xba: {  	s3 =	sand.u32 $0x4000, s31;
	s1 =	sadd.s32 s1, s30  }
0xbb: {  	s0 =	sor.u32 s3, s0;
	s1 =	sshll.u32 s1, $0x11  }
0xbc: {  	s0 =	sor.u32 s1, s0  }
0xbd: {  	s0 =	sadd.s32 $0x8F2B, s0  }
0xbe: {  	[sflag:s0] =	ssyncadd.remote.s32 $0x1  }
0xbf: {  	_ =	sfence.sel $0xFFFF  }
0xc0: {  	[dreg:$0x0] =	wrdreg $0xFFFFFFFF;
	(pc) =	sbr.abs _section_cstart, $3  }
0xc1: {  	[dreg:$0x1] =	wrdreg $0xFFFFFFFF  }
0xc2: {  	_ =	task.clear_ibuf [dreg:s7], $0x2FFFF;
	_ =	strace $0x9FFFFFFF  }
0xc3: {  	(tm) =	ssettm $0x7FFFFFFF  }
tec
execute0_lowered:
.L_overlay_start_1:
0x0: {  	(tag) =	ssettag $0x1  }
0x1: {  	s1 =	rddreg [dreg:$0x0]  }
0x2: {  	s0 =	rddreg [dreg:$0x1]  }
0x3: {  	s2 =	rddreg [dreg:$0x2];
	s3 =	simm.s32 $0x0;
	s7 =	srdreg.scid  }
0x4: {  	s9 =	stileid.u32;
	s28 =	simm.s32 $0x13980;
	s29 =	simm.s32 $0x17980  }
0x5: {  	s30 =	simm.s32 $0x17A00;
	s31 =	simm.s32 $0x4;
	[smem:$0x7FF] =	sst s3  }
0x6: {  	s4 =	sadd.s32 $0xBE00, s0;
	s5 =	sadd.s32 $0x2000, s0;
	s6 =	sadd.s32 $0x15C00, s0  }
0x7: {  	s7 =	sand.u32 $0x1, s7;
	s11 =	smul.u32 $0x4E000, s9;
	s0 =	sadd.s32 $0x66600, s0  }
0x8: {  	s13 =	sshll.u32 s9, $0x6;
	s16 =	sadd.s32 $0x138000, s2;
	s14 =	smul.u32 $0x13800, s9  }
0x9: {  	s21 =	smul.u32 $0x2710, s9;
	p0 =	sne.s32 s9, $0x0;
	_ =	strace $0x8000004D  }
0xa: {  	s8 =	ssub.s32 $0x2, s7;
	s10 =	sshll.u32 s7, $0x4;
	s17 =	smul.u32 $0x138800, s7  }
0xb: {  	[dreg:$0x5] =	wrdreg s16;
	s7 =	smul.u32 $0x27100, s7;
	s12 =	sshrl.u32 s8, $0x1  }
0xc: {  	s10 =	sor.u32 s9, s10;
	s11 =	sshrl.u32 s11, $0x2;
	s9 =	simm.s32 $0x2  }
0xd: {  	s10 =	smul.u32 $0x2710, s10;
	s12 =	ssub.s32 s8, s12;
	s15 =	sadd.s32 s11, s2  }
0xe: {  	s8 =	sor.u32 $0x1C05, s13;
	s23 =	sadd.s32 s14, s17;
	s11 =	sshrl.u32 s17, $0x3  }
0xf: {  	s7 =	sadd.s32 s21, s7;
	s14 =	simm.s32 $0x0;
	[dreg:$0x4] =	wrdreg s15  }
0x10: {  	s24 =	sadd.s32 $0x180, s7;
	s25 =	smax.u32 s12, $0x1;
	s10 =	sshrl.u32 s10, $0x3  }
0x11: {  	s21 =	sadd.s32 $0x100, s7;
	[dreg:$0xe] =	wrdreg s25;
	s18 =	sadd.s32 s4, s10  }
0x12: {  	s19 =	sadd.s32 $0x10, s10;
	s15 =	sadd.s32 s5, s10;
	[dreg:$0x6] =	wrdreg s18  }
0x13: {  	s7 =	simm.s32 $0x1;
	[dreg:$0x7] =	wrdreg s15;
	s20 =	sadd.s32 s4, s19  }
0x14: {  	s10 =	sadd.s32 $0x4E0, s10;
	s13 =	sadd.s32 s5, s19;
	[dreg:$0x8] =	wrdreg s20  }
0x15: {  	s26 =	sshrl.u32 s24, $0x3;
	s22 =	sadd.s32 s4, s10;
	[dreg:$0x9] =	wrdreg s13  }
0x16: {  	s24 =	simm.s32 $0x13900;
	s10 =	sadd.s32 s5, s10;
	[dreg:$0xa] =	wrdreg s22  }
0x17: {  	s25 =	simm.s32 $0x3;
	s19 =	sadd.s32 s26, s5;
	[dreg:$0xb] =	wrdreg s10  }
0x18: {  	s10 =	sshrl.u32 s23, $0x3;
	s20 =	sadd.s32 s26, s4;
	s22 =	simm.s32 $0x5  }
0x19: {  	s23 =	simm.s32 $0x13880;
	s10 =	sadd.s32 s0, s10;
	s0 =	sadd.s32 s0, s11  }
0x1a: {  	s26 =	simm.s32 $0x80;
	[dreg:$0xc] =	wrdreg s10;
	s0 =	sadd.s32 $0x27000, s0  }
0x1b: {  	s13 =	simm.s32 $0x1BB80;
	[dreg:$0xd] =	wrdreg s0;
	s0 =	simm.s32 $0x17A80  }
.LBB2_1:
0x1c: {  	s10 =	rddreg [dreg:$0x4]  }
0x1d: {  	s15 =	sshrl.u32 s10, $0x3  }
0x1e: {  	[spmem:s15], [sflag:s8] =	dma.local [hbm:s6], $0x2700  }
0x1f: {  	_ =	swait.ge [sflag:s22], $0x2700  }
0x20: {  	[sflag:s22] =	ssyncset.done $0x0;
	s10 =	rddreg [dreg:$0x5]  }
0x21: {  	s17 =	simm.s32 @!p0 $0x5;
	[sflag:s22] =	ssyncadd.s32 $0xFFFFD900;
	s16 =	sshrl.u32 @!p0 s10, $0x3  }
0x22: {  	[spmem:s16], [sflag:s8] =	dma.local @!p0 [hbm:s6], $0x100  }
0x23: {  	_ =	swait.ge @!p0 [sflag:s17], $0x100  }
0x24: {  	[sflag:s17] =	ssyncset.done @!p0 $0x0  }
0x25: {  	[sflag:s17] =	ssyncadd.s32 @!p0 $0xFFFFFF00  }
0x26: {  	[bflag:$0x0] =	sbarrier.arrive $0xFFFF  }
0x27: {  	s11 =	rddreg [dreg:$0x6]  }
0x28: {  	[tilespmem:s23], [sflag:$0x3] =	stream.linear.gather [hbm4b:s11+s3], $0x80, $0x38;
	[tilespmem:$0x1C380] =	vst v63  }
0x29: {  	s12 =	rddreg [dreg:$0x7]  }
0x2a: {  	[tilespmem:s24], [sflag:$0x3] =	stream.linear.gather [hbm4b:s12+s3], $0x80, $0x38;
	[tilespmem:$0x1C380] =	vst v63  }
0x2b: {  	_ =	swait.ge [sflag:s25], $0x80  }
0x2c: {  	[sflag:s25] =	ssyncset.done $0x0  }
0x2d: {  	[sflag:s25] =	ssyncadd.s32 $0xFFFFFF80  }
0x2e: {  	_ =	swait.ge [sflag:s25], $0x80  }
0x2f: {  	[sflag:s25] =	ssyncset.done $0x0  }
0x30: {  	[sflag:s25] =	ssyncadd.s32 $0xFFFFFF80  }
0x31: {  	[tilespmem:s28], [sflag:$0x1] =	stream.indirect.gather [hbm4b:s1+s26], $0x80, s23, s26, $0xb8;
	[tilespmem:$0x1C380] =	vst v63  }
0x32: {  	s17 =	rddreg [dreg:$0x8]  }
0x33: {  	[tilespmem:s29], [sflag:$0x4] =	stream.linear.gather [hbm4b:s17+s3], $0x80, $0x38;
	[tilespmem:$0x1C380] =	vst v63  }
0x34: {  	s18 =	rddreg [dreg:$0x9]  }
0x35: {  	[tilespmem:s30], [sflag:$0x4] =	stream.linear.gather [hbm4b:s18+s3], $0x80, $0x38;
	[tilespmem:$0x1C380] =	vst v63  }
0x36: {  	_ =	swait.ge [sflag:s31], $0x80  }
0x37: {  	[sflag:s31] =	ssyncset.done $0x0  }
0x38: {  	[sflag:s31] =	ssyncadd.s32 $0xFFFFFF80  }
0x39: {  	_ =	swait.ge [sflag:s31], $0x80  }
0x3a: {  	[sflag:s31] =	ssyncset.done $0x0  }
0x3b: {  	[sflag:s31] =	ssyncadd.s32 $0xFFFFFF80  }
0x3c: {  	[tilespmem:s0], [sflag:$0x2] =	stream.indirect.gather [hbm4b:s1+s26], $0x80, s29, s26, $0xb8;
	[tilespmem:$0x1C380] =	vst v63  }
0x3d: {  	_ =	swait.ge [sflag:s7], $0x4000  }
0x3e: {  	[sflag:s7] =	ssyncset.done $0x0  }
0x3f: {  	[sflag:s7] =	ssyncadd.s32 $0xFFFFC000  }
0x40: {  	[spmem:s2] =	stream.indirect.scatter.add.f32 [tilespmem:s28], [sflag:$0x5], $0x80, s24, s26, $0xb8;
	[tilespmem:$0x1C380] =	vst v63  }
0x41: {  	_ =	swait.ge [sflag:s22], $0x4000  }
0x42: {  	s11 =	sshrl.u32 s21, $0x3;
	[sflag:s22] =	ssyncset.done $0x0  }
0x43: {  	s18 =	sadd.s32 s4, s11;
	[sflag:s22] =	ssyncadd.s32 $0xFFFFC000  }
0x44: {  	[tilespmem:s23], [sflag:$0x3] =	stream.linear.gather [hbm4b:s18+s3], $0x80, $0x38;
	[tilespmem:$0x1C380] =	vst v63  }
0x45: {  	s17 =	sadd.s32 s5, s11  }
0x46: {  	[tilespmem:s24], [sflag:$0x3] =	stream.linear.gather [hbm4b:s17+s3], $0x80, $0x38;
	[tilespmem:$0x1C380] =	vst v63  }
0x47: {  	_ =	swait.ge [sflag:s9], $0x4000  }
0x48: {  	[sflag:s9] =	ssyncset.done $0x0  }
0x49: {  	[sflag:s9] =	ssyncadd.s32 $0xFFFFC000  }
0x4a: {  	[spmem:s2] =	stream.indirect.scatter.add.f32 [tilespmem:s0], [sflag:$0x5], $0x80, s30, s26, $0xb8;
	[tilespmem:$0x1C380] =	vst v63  }
0x4b: {  	_ =	swait.ge [sflag:s22], $0x4000  }
0x4c: {  	[sflag:s22] =	ssyncset.done $0x0  }
0x4d: {  	s12 =	sadd.s32 $0x0, s20;
	[sflag:s22] =	ssyncadd.s32 $0xFFFFC000  }
0x4e: {  	[tilespmem:s29], [sflag:$0x4] =	stream.linear.gather [hbm4b:s12+s3], $0x80, $0x38;
	[tilespmem:$0x1C380] =	vst v63  }
0x4f: {  	s18 =	sadd.s32 $0x0, s19  }
0x50: {  	[tilespmem:s30], [sflag:$0x4] =	stream.linear.gather [hbm4b:s18+s3], $0x80, $0x38;
	[tilespmem:$0x1C380] =	vst v63  }
0x51: {  	_ =	swait.ge [sflag:s25], $0x80  }
0x52: {  	[sflag:s25] =	ssyncset.done $0x0  }
0x53: {  	[sflag:s25] =	ssyncadd.s32 $0xFFFFFF80  }
0x54: {  	_ =	swait.ge [sflag:s25], $0x80  }
0x55: {  	[sflag:s25] =	ssyncset.done $0x0  }
0x56: {  	s17 =	simm.s32 $0x20;
	s18 =	sadd.s32 $0x100, s21;
	[sflag:s25] =	ssyncadd.s32 $0xFFFFFF80  }
.LBB2_2:
0x57: {  	[tilespmem:s28], [sflag:$0x1] =	stream.indirect.gather [hbm4b:s1+s26], $0x80, s23, s26, $0xb8;
	[tilespmem:$0x1C380] =	vst v63  }
0x58: {  	s10 =	smov.u32 s17  }
0x59: {  	p1 =	sne.s32 s17, $0x4A0;
	s17 =	sadd.s32 $0x20, s17;
	_ =	swait.ge [sflag:s31], $0x80  }
0x5a: {  	[sflag:s31] =	ssyncset.done $0x0  }
0x5b: {  	[sflag:s31] =	ssyncadd.s32 $0xFFFFFF80  }
0x5c: {  	_ =	swait.ge [sflag:s31], $0x80  }
0x5d: {  	[sflag:s31] =	ssyncset.done $0x0  }
0x5e: {  	[sflag:s31] =	ssyncadd.s32 $0xFFFFFF80  }
0x5f: {  	[tilespmem:s0], [sflag:$0x2] =	stream.indirect.gather [hbm4b:s1+s26], $0x80, s29, s26, $0xb8;
	[tilespmem:$0x1C380] =	vst v63  }
0x60: {  	_ =	swait.ge [sflag:s7], $0x4000  }
0x61: {  	[sflag:s7] =	ssyncset.done $0x0  }
0x62: {  	[sflag:s7] =	ssyncadd.s32 $0xFFFFC000  }
0x63: {  	[spmem:s2] =	stream.indirect.scatter.add.f32 [tilespmem:s28], [sflag:$0x5], $0x80, s24, s26, $0xb8;
	[tilespmem:$0x1C380] =	vst v63  }
0x64: {  	_ =	swait.ge [sflag:s22], $0x4000  }
0x65: {  	s11 =	sshrl.u32 s18, $0x3;
	[sflag:s22] =	ssyncset.done $0x0  }
0x66: {  	s12 =	sadd.s32 s4, s11;
	[sflag:s22] =	ssyncadd.s32 $0xFFFFC000  }
0x67: {  	[tilespmem:s23], [sflag:$0x3] =	stream.linear.gather [hbm4b:s12+s3], $0x80, $0x38;
	[tilespmem:$0x1C380] =	vst v63  }
0x68: {  	s11 =	sadd.s32 s5, s11  }
0x69: {  	[tilespmem:s24], [sflag:$0x3] =	stream.linear.gather [hbm4b:s11+s3], $0x80, $0x38;
	[tilespmem:$0x1C380] =	vst v63  }
0x6a: {  	_ =	swait.ge [sflag:s9], $0x4000  }
0x6b: {  	[sflag:s9] =	ssyncset.done $0x0  }
0x6c: {  	[sflag:s9] =	ssyncadd.s32 $0xFFFFC000  }
0x6d: {  	[spmem:s2] =	stream.indirect.scatter.add.f32 [tilespmem:s0], [sflag:$0x5], $0x80, s30, s26, $0xb8;
	[tilespmem:$0x1C380] =	vst v63  }
0x6e: {  	_ =	swait.ge [sflag:s22], $0x4000  }
0x6f: {  	[sflag:s22] =	ssyncset.done $0x0  }
0x70: {  	s11 =	sadd.s32 s10, s20;
	[sflag:s22] =	ssyncadd.s32 $0xFFFFC000  }
0x71: {  	[tilespmem:s29], [sflag:$0x4] =	stream.linear.gather [hbm4b:s11+s3], $0x80, $0x38;
	[tilespmem:$0x1C380] =	vst v63  }
0x72: {  	s10 =	sadd.s32 s10, s19  }
0x73: {  	[tilespmem:s30], [sflag:$0x4] =	stream.linear.gather [hbm4b:s10+s3], $0x80, $0x38;
	[tilespmem:$0x1C380] =	vst v63  }
0x74: {  	_ =	swait.ge [sflag:s25], $0x80  }
.Ltmp0:
0x75: {  	[sflag:s25] =	ssyncset.done $0x0;
	(pc) =	sbr.rel @p1 .LBB2_2-.Ltmp0, $4  }
0x76: {  	[sflag:s25] =	ssyncadd.s32 $0xFFFFFF80  }
0x77: {  	_ =	swait.ge [sflag:s25], $0x80  }
0x78: {  	[sflag:s25] =	ssyncset.done $0x0  }
0x79: {  	s18 =	sadd.s32 $0x100, s18;
	[sflag:s25] =	ssyncadd.s32 $0xFFFFFF80  }
0x7a: {  	[tilespmem:s28], [sflag:$0x1] =	stream.indirect.gather [hbm4b:s1+s26], $0x80, s23, s26, $0xb8;
	[tilespmem:$0x1C380] =	vst v63  }
0x7b: {  	_ =	swait.ge [sflag:s31], $0x80  }
0x7c: {  	[sflag:s31] =	ssyncset.done $0x0  }
0x7d: {  	[sflag:s31] =	ssyncadd.s32 $0xFFFFFF80  }
0x7e: {  	_ =	swait.ge [sflag:s31], $0x80  }
0x7f: {  	[sflag:s31] =	ssyncset.done $0x0  }
0x80: {  	[sflag:s31] =	ssyncadd.s32 $0xFFFFFF80  }
0x81: {  	[tilespmem:s0], [sflag:$0x2] =	stream.indirect.gather [hbm4b:s1+s26], $0x80, s29, s26, $0xb8;
	[tilespmem:$0x1C380] =	vst v63  }
0x82: {  	_ =	swait.ge [sflag:s7], $0x4000  }
0x83: {  	[sflag:s7] =	ssyncset.done $0x0  }
0x84: {  	[sflag:s7] =	ssyncadd.s32 $0xFFFFC000  }
0x85: {  	[spmem:s2] =	stream.indirect.scatter.add.f32 [tilespmem:s28], [sflag:$0x5], $0x80, s24, s26, $0xb8;
	[tilespmem:$0x1C380] =	vst v63  }
0x86: {  	_ =	swait.ge [sflag:s22], $0x4000  }
0x87: {  	[sflag:s22] =	ssyncset.done $0x0  }
0x88: {  	[sflag:s22] =	ssyncadd.s32 $0xFFFFC000  }
0x89: {  	_ =	swait.ge [sflag:s9], $0x4000  }
0x8a: {  	[sflag:s9] =	ssyncset.done $0x0  }
0x8b: {  	[sflag:s9] =	ssyncadd.s32 $0xFFFFC000  }
0x8c: {  	[spmem:s2] =	stream.indirect.scatter.add.f32 [tilespmem:s0], [sflag:$0x5], $0x80, s30, s26, $0xb8;
	[tilespmem:$0x1C380] =	vst v63  }
0x8d: {  	_ =	swait.ge [sflag:s22], $0x4000  }
0x8e: {  	[sflag:s22] =	ssyncset.done $0x0  }
0x8f: {  	s11 =	simm.s32 $0x1BA80;
	s10 =	rddreg [dreg:$0xa];
	[sflag:s22] =	ssyncadd.s32 $0xFFFFC000  }
0x90: {  	[tilespmem:s11], [sflag:$0x5] =	stream.linear.gather [hbm4b:s10+s3], $0x10, $0x38;
	[tilespmem:$0x1C380] =	vst v63  }
0x91: {  	_ =	swait.ge [sflag:s22], $0x10  }
0x92: {  	[sflag:s22] =	ssyncset.done $0x0  }
0x93: {  	s12 =	simm.s32 $0x1BB00;
	s17 =	rddreg [dreg:$0xb];
	[sflag:s22] =	ssyncadd.s32 $0xFFFFFFF0  }
0x94: {  	[tilespmem:s12], [sflag:$0x5] =	stream.linear.gather [hbm4b:s17+s3], $0x10, $0x38;
	[tilespmem:$0x1C380] =	vst v63  }
0x95: {  	_ =	swait.ge [sflag:s22], $0x10  }
0x96: {  	[sflag:s22] =	ssyncset.done $0x0  }
0x97: {  	s18 =	simm.s32 $0x10;
	[sflag:s22] =	ssyncadd.s32 $0xFFFFFFF0  }
0x98: {  	[tilespmem:s13], [sflag:$0x1] =	stream.indirect.gather [hbm4b:s1+s18], $0x80, s11, s18, $0xb8;
	[tilespmem:$0x1C380] =	vst v63  }
0x99: {  	_ =	swait.ge [sflag:s7], $0x800  }
0x9a: {  	[sflag:s7] =	ssyncset.done $0x0  }
0x9b: {  	[sflag:s7] =	ssyncadd.s32 $0xFFFFF800  }
0x9c: {  	[spmem:s2] =	stream.indirect.scatter.add.f32 [tilespmem:s13], [sflag:$0x5], $0x80, s12, s18, $0xb8;
	[tilespmem:$0x1C380] =	vst v63  }
0x9d: {  	_ =	swait.ge [sflag:s22], $0x800  }
0x9e: {  	[sflag:s22] =	ssyncset.done $0x0  }
0x9f: {  	[sflag:s22] =	ssyncadd.s32 $0xFFFFF800  }
0xa0: {  	[bflag:$0x0] =	sbarrier.arrive $0xFFFF  }
0xa1: {  	s17 =	rddreg [dreg:$0xc]  }
0xa2: {  	[hbm:s17], [sflag:s8] =	dma.local [spmem:s15], $0x2700  }
0xa3: {  	_ =	swait.ge [sflag:s22], $0x2700  }
0xa4: {  	[sflag:s22] =	ssyncset.done $0x0  }
0xa5: {  	s10 =	rddreg [dreg:$0xd];
	[sflag:s22] =	ssyncadd.s32 $0xFFFFD900  }
0xa6: {  	[hbm:s10], [sflag:s8] =	dma.local @!p0 [spmem:s16], $0x100  }
0xa7: {  	s10 =	simm.s32 @!p0 $0x5  }
0xa8: {  	_ =	swait.ge @!p0 [sflag:s10], $0x100  }
0xa9: {  	s14 =	sadd.s32 $0x1, s14;
	s18 =	rddreg [dreg:$0xe]  }
0xaa: {  	p1 =	sne.s32 s14, s18  }
.Ltmp1:
0xab: {  	_ = 	snop;
	(pc) =	sbr.rel @p1 .LBB2_1-.Ltmp1, $3  }
0xac: {  	_ =	sdelay $0x1  }
0xad: {  	[sflag:s10] =	ssyncset.done @!p0 $0x0  }
0xae: {  	[sflag:s10] =	ssyncadd.s32 @!p0 $0xFFFFFF00  }
0xaf: {  	_ =	sfence.sel $0x180000  }
0xb0: {  	[bflag:$0x0] =	sbarrier.arrive $0xFFFF  }
0xb1: {  	_ =	strace $0x9000004D  }
0xb2: {  	[bflag:$0x2] =	sbarrier.arrive $0xFFFF  }
0xb3: {  	s0 =	rddreg [dreg:$0x3]  }
0xb4: {  	s0 =	sadd.s32 @!p0 $0x100000, s0  }
0xb5: {  	[sflag:s0] =	ssyncadd.tile.s32 @!p0 $0x1;
	_ =	shalt  }
.Lfunc_end2:
_tile_overlayer_lowered:
.L_overlay_start_2:
0xb6: {  	(tag) =	ssettag $0x2  }
0xb7: {  	s0 =	rddreg [dreg:$0x0];
	s2 =	stileid.u32  }
0xb8: {  	s1 =	rddreg [dreg:$0x1];
	p0 =	sne.s32 s2, $0x0  }
0xb9: {  	s3 =	rddreg [dreg:$0x2];
	[bflag:$0x3] =	sbarrier.arrive $0xFFFF;
	s2 =	simm.s32 @!p0 $0x1C05  }
0xba: {  	[timem:s3], [sflag:s2] =	dma.local @!p0 [hbm:s0], s1  }
0xbb: {  	s0 =	simm.s32 @!p0 $0x5  }
0xbc: {  	_ =	swait.ge @!p0 [sflag:s0], s1  }
0xbd: {  	s1 =	ssub.s32 @!p0 $0x0, s1;
	[sflag:s0] =	ssyncset.done @!p0 $0x0  }
0xbe: {  	[sflag:s0] =	ssyncadd.s32 @!p0 s1  }
0xbf: {  	[bflag:$0x3] =	sbarrier.arrive $0xFFFF  }
0xc0: {  	_ =	shalt  }

// kernel: kernel.7.cloned.1.call-start
scs
__scs_entry_jumppad:
0x0: {  	(pc) =	sbr.rel $0x88, $3  }
0x1: {  	(tag) =	ssettag $0x0;
	lr =	simm.s32 $0x1  }
0x2: {  	[smem:$0x3F99] =	sst lr;
	_ =	strace $0xD0000000  }
0x3: {  	_ = 	snop  }
0x4: {  	_ = 	snop  }
0x5: {  	_ = 	snop  }
0x6: {  	_ = 	snop  }
0x7: {  	_ = 	snop  }
__scs_overlays_trampoline_lowered:
0x8: {  	[smem:$0x3FA8] =	sst s0  }
0x9: {  	[smem:$0x3FA9] =	sst s1  }
0xa: {  	[smem:$0x3FAA] =	sst s2  }
0xb: {  	[smem:$0x3FAB] =	sst s3  }
0xc: {  	[smem:$0x3FAC] =	sst s4  }
0xd: {  	[smem:$0x3FAD] =	sst s5  }
0xe: {  	[smem:$0x3FAE] =	sst s6  }
0xf: {  	[smem:$0x3FAF] =	sst s7  }
0x10: {  	[smem:$0x3FB0] =	sst s8  }
0x11: {  	[smem:$0x3FB1] =	sst s9;
	s0 =	simm.s32 @!p0 $0x0  }
0x12: {  	s1 =	sld [smem:$0x3F97];
	s0 =	simm.s32 @p0 $0x1  }
0x13: {  	[smem:$0x3FB2] =	sst s0;
	s0 =	simm.s32 @!p1 $0x0  }
0x14: {  	s2 =	sld [smem:$0x3F96];
	s0 =	simm.s32 @p1 $0x1  }
0x15: {  	[smem:$0x3FB3] =	sst s0;
	s0 =	simm.s32 @!p2 $0x0  }
0x16: {  	s3 =	sld [smem:$0x3FDB];
	s0 =	simm.s32 @p2 $0x1  }
0x17: {  	s4 =	simm.s32 $0x1BF5;
	[smem:$0x3FB5] =	sst s0  }
0x18: {  	s0 =	sld [smem:$0x3F98];
	_ =	swait.ge [sflag:s4], $0x0  }
0x19: {  	s7 =	sld [smem:$0x3F99]  }
0x1a: {  	s8 =	sadd.s32 $0xFFFFE003, lr  }
0x1b: {  	s9 =	sadd.s32 $0xFFFFFEF7, lr;
	s5 =	simm.s32 $0xFFFFFFFF;
	p2 =	slt.u32 s8, $0xFFFFF086  }
0x1c: {  	p1 =	slt.u32 s9, $0xF7A;
	s5 =	simm.s32 @!p2 $0x0  }
0x1d: {  	s5 =	simm.s32 @p1 $0x1;
	p0 =	seq.s32 s7, s2  }
0x1e: {  	s7 =	smul.u32 @!p0 $0xF7A, s2;
	p2 =	seq.s32 @!p0 s5, $0x0  }
0x1f: {  	s9 =	smul.u32 $0xF7A, s1;
	s8 =	simm.s32 @!p0 $0x1BF5;
	p2 =	por !p2, p0  }
0x20: {  	[sflag:s8] =	ssyncset.s32 @!p0 $0xFFFFF086;
	s6 =	sadd.s32 @!p0 s3, s7;
	s7 =	simm.s32 @!p0 $0x108  }
0x21: {  	s3 =	sadd.s32 s3, s9;
	s6 =	sadd.s32 @!p0 $0x88, s6;
	s7 =	simm.s32 @p2 $0x1082  }
0x22: {  	[simem:s7], [sflag:s8] =	dma.local @!p0 [hbm:s6], $0xF7A  }
0x23: {  	s9 =	sor.u32 $0xD0000000, s2;
	s6 =	simm.s32 $0x108;
	_ =	swait.ge @!p0 [sflag:s8], $0x0  }
0x24: {  	s3 =	sadd.s32 $0x88, s3;
	s6 =	simm.s32 @!p1 $0x1082;
	[sflag:s4] =	ssyncset.s32 $0xFFFFF086  }
0x25: {  	[simem:s6], [sflag:s4] =	dma.local [hbm:s3], $0xF7A  }
0x26: {  	[smem:$0x3F99] =	sst s1;
	(tag) =	ssettag s2;
	_ =	strace s9  }
0x27: {  	s1 =	sld [smem:$0x3FA9]  }
0x28: {  	s2 =	sld [smem:$0x3FAA]  }
0x29: {  	s4 =	sld [smem:$0x3FAC]  }
0x2a: {  	p0 =	seq.s32 s5, $0x0;
	s5 =	sld [smem:$0x3FAD]  }
0x2b: {  	s6 =	sld [smem:$0x3FAE]  }
0x2c: {  	s7 =	sld [smem:$0x3FAF]  }
0x2d: {  	s3 =	simm.s32 $0x108;
	s8 =	sld [smem:$0x3FB0]  }
0x2e: {  	s3 =	simm.s32 @!p0 $0x1082;
	s9 =	sld [smem:$0x3FB1]  }
0x2f: {  	lr =	sadd.s32 s0, s3;
	s0 =	sld [smem:$0x3FA8]  }
0x30: {  	s3 =	sld [smem:$0x3FAB]  }
0x31: {  	[smem:$0x3FB4] =	sst s10  }
0x32: {  	s10 =	sld [smem:$0x3FB2];
	_ =	sdelay $0x3  }
0x33: {  	p0 =	seq.s32 s10, $0x1;
	s10 =	sld [smem:$0x3FB4];
	_ =	sdelay $0x3  }
0x34: {  	[smem:$0x3FB4] =	sst s10  }
0x35: {  	s10 =	sld [smem:$0x3FB3];
	_ =	sdelay $0x3  }
0x36: {  	p1 =	seq.s32 s10, $0x1;
	s10 =	sld [smem:$0x3FB4];
	_ =	sdelay $0x3  }
0x37: {  	[smem:$0x3FB4] =	sst s10  }
0x38: {  	s10 =	sld [smem:$0x3FB5]  }
0x39: {  	_ = 	snop;
	(pc) =	sbr.ind lr, $3  }
0x3a: {  	_ = 	snop  }
0x3b: {  	_ = 	snop  }
0x3c: {  	p2 =	seq.s32 s10, $0x1;
	s10 =	sld [smem:$0x3FB4]  }
0x3d: {  	_ =	shalt  }
0x3e: {  	_ =	shalt  }
0x3f: {  	_ =	shalt  }
0x40: {  	_ =	shalt  }
0x41: {  	_ =	shalt  }
0x42: {  	_ =	shalt  }
0x43: {  	_ =	shalt  }
0x44: {  	_ =	shalt  }
0x45: {  	_ =	shalt  }
0x46: {  	_ =	shalt  }
0x47: {  	_ =	shalt  }
0x48: {  	_ =	shalt  }
0x49: {  	_ =	shalt  }
0x4a: {  	_ =	shalt  }
0x4b: {  	_ =	shalt  }
0x4c: {  	_ =	shalt  }
0x4d: {  	_ =	shalt  }
0x4e: {  	_ =	shalt  }
0x4f: {  	_ =	shalt  }
0x50: {  	_ =	shalt  }
0x51: {  	_ =	shalt  }
0x52: {  	_ =	shalt  }
0x53: {  	_ =	shalt  }
0x54: {  	_ =	shalt  }
0x55: {  	_ =	shalt  }
0x56: {  	_ =	shalt  }
0x57: {  	_ =	shalt  }
0x58: {  	_ =	shalt  }
0x59: {  	_ =	shalt  }
0x5a: {  	_ =	shalt  }
0x5b: {  	_ =	shalt  }
0x5c: {  	_ =	shalt  }
0x5d: {  	_ =	shalt  }
0x5e: {  	_ =	shalt  }
0x5f: {  	_ =	shalt  }
0x60: {  	_ =	shalt  }
0x61: {  	_ =	shalt  }
0x62: {  	_ =	shalt  }
0x63: {  	_ =	shalt  }
0x64: {  	_ =	shalt  }
0x65: {  	_ =	shalt  }
0x66: {  	_ =	shalt  }
0x67: {  	_ =	shalt  }
0x68: {  	_ =	shalt  }
0x69: {  	_ =	shalt  }
0x6a: {  	_ =	shalt  }
0x6b: {  	_ =	shalt  }
0x6c: {  	_ =	shalt  }
0x6d: {  	_ =	shalt  }
0x6e: {  	_ =	shalt  }
0x6f: {  	_ =	shalt  }
0x70: {  	_ =	shalt  }
0x71: {  	_ =	shalt  }
0x72: {  	_ =	shalt  }
0x73: {  	_ =	shalt  }
0x74: {  	_ =	shalt  }
0x75: {  	_ =	shalt  }
0x76: {  	_ =	shalt  }
0x77: {  	_ =	shalt  }
0x78: {  	_ =	shalt  }
0x79: {  	_ =	shalt  }
0x7a: {  	_ =	shalt  }
0x7b: {  	_ =	shalt  }
0x7c: {  	_ =	shalt  }
0x7d: {  	_ =	shalt  }
0x7e: {  	_ =	shalt  }
0x7f: {  	_ =	shalt  }
0x80: {  	_ =	shalt  }
0x81: {  	_ =	shalt  }
0x82: {  	_ =	shalt  }
0x83: {  	_ =	shalt  }
0x84: {  	_ =	shalt  }
0x85: {  	_ =	shalt  }
0x86: {  	_ =	shalt  }
0x87: {  	_ =	shalt  }
.Lfunc_end0:
.L_simem_size_0:
called_computation_lowered:
.L_overlay_start_0:
0x88: {  	s2 =	sld [smem:$0x3FD9]  }
0x89: {  	s3 =	sld [smem:$0x3FFE];
	_ =	sdelay $0x1  }
0x8a: {  	s1 =	srdreg.scid  }
0x8b: {  	s0 =	sand.u32 $0x1, s1  }
0x8c: {  	s17 =	sshll.u32 s0, $0xA;
	s2 =	sadd.s32 s3, s2  }
0x8d: {  	s2 =	sadd.s32 s2, s17  }
0x8e: {  	[smem:$0x3FC0] =	sst s2  }
0x8f: {  	_ = 	snop  }
0x90: {  	s2 =	sld [smem:$0x3FD0];
	(tm) =	ssettm $0x1  }
0x91: {  	s18 =	sld [smem:$0x3FFB];
	_ =	sdelay $0x3  }
0x92: {  	_ =	strace s18  }
0x93: {  	s3 =	sld [smem:$0x3FFC];
	_ =	sdelay $0x3  }
0x94: {  	_ =	strace s3  }
0x95: {  	s3 =	sld [smem:$0x3FFD];
	_ =	sdelay $0x3  }
0x96: {  	_ =	strace s3  }
0x97: {  	_ =	strace $0x8FFFFFFF  }
0x98: {  	s19 =	sld [smem:$0x3FDB];
	_ =	sdelay $0x1  }
0x99: {  	s4 =	simm.s32 $_scs_section_size  }
0x9a: {  	s5 =	simm.s32 $_size__tile_overlayer_lowered;
	s6 =	simm.s32 $_tile_overlayer_lowered  }
0x9b: {  	s22 =	simm.s32 $0x1BFF;
	s21 =	sshll.u32 s6, $0x1;
	s3 =	sadd.s32 s4, s19  }
0x9c: {  	s7 =	simm.s32 $0x0;
	s20 =	sshll.u32 s5, $0x1;
	s5 =	sadd.s32 s21, s3  }
0x9d: {  	[timem:s7], [sflag:s22] =	dma.local [hbm:s5], s20  }
0x9e: {  	_ =	swait.ge [sflag:s22], s20  }
0x9f: {  	s4 =	ssub.s32 $0x0, s20;
	[sflag:s22] =	ssyncset.done $0x0  }
0xa0: {  	[sflag:s22] =	ssyncadd.s32 s4;
	_ =	sdelay $0x1  }
0xa1: {  	s23 =	simm.s32 $0x1B8B  }
0xa2: {  	_ =	swait.ge [sflag:s23], $0x1  }
0xa3: {  	[sflag:s23] =	ssyncset.done $0x0  }
0xa4: {  	s25 =	simm.s32 $0x1B8E;
	s24 =	sld [smem:$0x3FFE];
	[sflag:s23] =	ssyncadd.s32 $0xFFFFFFFF  }
0xa5: {  	s26 =	simm.s32 $execute0_lowered;
	[smem:$0x3FD2] =	sst s25  }
0xa6: {  	s5 =	sshll.u32 s26, $0x1;
	_ =	strace $0x80000046;
	[dreg:$0x1] =	wrdreg $0xFFFFFFFF  }
0xa7: {  	s28 =	simm.s32 $_size_execute0_lowered;
	s3 =	sadd.s32 s3, s5;
	[dreg:$0x0] =	wrdreg $0x0  }
0xa8: {  	s5 =	sshll.u32 s28, $0x1;
	[dreg:$0x2] =	wrdreg s3  }
0xa9: {  	[dreg:$0x3] =	wrdreg s5  }
0xaa: {  	[dreg:$0x4] =	wrdreg $0xC0  }
0xab: {  	_ =	task [dreg:s7], $0x5FFFF  }
0xac: {  	[dreg:$0x1] =	wrdreg $0xFFFFFFFF  }
0xad: {  	[dreg:$0x0] =	wrdreg $0x60  }
0xae: {  	[dreg:$0x2] =	wrdreg s24  }
0xaf: {  	[dreg:$0x3] =	wrdreg s2  }
0xb0: {  	[dreg:$0x4] =	wrdreg $0x0  }
0xb1: {  	[dreg:$0x5] =	wrdreg $0x9  }
0xb2: {  	_ =	task.clear_ibuf [dreg:s7], $0x6FFFF;
	_ =	strace $0x90000046  }
0xb3: {  	s29 =	simm.s32 $0x9;
	_ =	strace $0x80000048  }
0xb4: {  	_ =	swait.ge [sflag:s29], $0x1  }
0xb5: {  	[sflag:s29] =	ssyncadd.s32 $0xFFFFFFFF  }
0xb6: {  	_ =	strace $0x90000048  }
0xb7: {  	_ =	sfence  }
0xb8: {  	s30 =	sld [smem:$0x0];
	_ =	sdelay $0x2  }
0xb9: {  	s31 =	sshll.u32 s1, $0xD;
	s1 =	sshrl.u32 s1, $0x2  }
0xba: {  	s3 =	sand.u32 $0x4000, s31;
	s1 =	sadd.s32 s1, s30  }
0xbb: {  	s0 =	sor.u32 s3, s0;
	s1 =	sshll.u32 s1, $0x11  }
0xbc: {  	s0 =	sor.u32 s1, s0  }
0xbd: {  	s0 =	sadd.s32 $0x8F2B, s0  }
0xbe: {  	[sflag:s0] =	ssyncadd.remote.s32 $0x1  }
0xbf: {  	_ =	sfence.sel $0xFFFF  }
0xc0: {  	[dreg:$0x0] =	wrdreg $0xFFFFFFFF;
	(pc) =	sbr.abs _section_cstart, $3  }
0xc1: {  	[dreg:$0x1] =	wrdreg $0xFFFFFFFF  }
0xc2: {  	_ =	task.clear_ibuf [dreg:s7], $0x2FFFF;
	_ =	strace $0x9FFFFFFF  }
0xc3: {  	(tm) =	ssettm $0x7FFFFFFF  }
tec
execute0_lowered:
.L_overlay_start_1:
0x0: {  	(tag) =	ssettag $0x1  }
0x1: {  	s6 =	rddreg [dreg:$0x0]  }
0x2: {  	s1 =	rddreg [dreg:$0x1]  }
0x3: {  	s2 =	rddreg [dreg:$0x2]  }
0x4: {  	s3 =	simm.s32 $0x0;
	s5 =	srdreg.scid;
	s15 =	stileid.u32  }
0x5: {  	s19 =	simm.s32 $0x13880;
	s20 =	simm.s32 $0x13900;
	s21 =	simm.s32 $0x1  }
0x6: {  	s22 =	simm.s32 $0x80;
	s23 =	simm.s32 $0x2;
	s24 =	simm.s32 $0x17980  }
0x7: {  	s25 =	simm.s32 $0x10;
	[smem:$0x7FF] =	sst s3;
	s4 =	sadd.s32 $0x2000, s6  }
0x8: {  	s7 =	sand.u32 $0x1, s5;
	s5 =	sadd.s32 $0x15C00, s6;
	s10 =	smul.u32 $0x4E000, s15  }
0x9: {  	s11 =	sadd.s32 $0x18400, s6;
	s30 =	sshll.u32 s15, $0x6;
	s31 =	smul.u32 $0x13800, s15  }
0xa: {  	s17 =	sadd.s32 $0x138000, s2;
	s14 =	smul.u32 $0x2710, s15;
	p0 =	sne.s32 s15, $0x0  }
0xb: {  	_ =	strace $0x80000047;
	s8 =	sshll.u32 s7, $0x4;
	s29 =	smul.u32 $0x138800, s7  }
0xc: {  	s9 =	ssub.s32 $0x2, s7;
	s6 =	sor.u32 $0x1C03, s30;
	s13 =	smul.u32 $0x27100, s7  }
0xd: {  	s17 =	sshrl.u32 @!p0 s17, $0x3;
	s8 =	sor.u32 s15, s8;
	s26 =	sshrl.u32 s9, $0x1  }
0xe: {  	s28 =	sshrl.u32 s10, $0x2;
	s8 =	smul.u32 $0x2710, s8;
	s12 =	ssub.s32 s9, s26  }
0xf: {  	s16 =	sadd.s32 s28, s2;
	s10 =	sadd.s32 s31, s29;
	s9 =	sshrl.u32 s29, $0x3  }
0x10: {  	s13 =	sadd.s32 s14, s13;
	s26 =	simm.s32 $0x0;
	s10 =	sshrl.u32 s10, $0x3  }
0x11: {  	s18 =	sadd.s32 s11, s9;
	s14 =	sadd.s32 $0x80, s13;
	s13 =	sadd.s32 $0x100, s13  }
0x12: {  	s15 =	sshrl.u32 s16, $0x3;
	s16 =	simm.s32 $0x3;
	s8 =	sshrl.u32 s8, $0x3  }
0x13: {  	s9 =	sadd.s32 s11, s10;
	s10 =	sadd.s32 $0x27000, s18;
	s11 =	smax.u32 s12, $0x1  }
0x14: {  	s14 =	sshrl.u32 s14, $0x3;
	s18 =	simm.s32 $0x13980;
	s7 =	sadd.s32 s4, s8  }
0x15: {  	s14 =	sadd.s32 s14, s4;
	s8 =	sadd.s32 $0x4E0, s7;
	s12 =	sadd.s32 $0x4D0, s7  }
.LBB2_1:
0x16: {  	[spmem:s15], [sflag:s6] =	dma.local [hbm:s5], $0x2700  }
0x17: {  	_ =	swait.ge [sflag:s16], $0x2700  }
0x18: {  	[sflag:s16] =	ssyncset.done $0x0  }
0x19: {  	s28 =	simm.s32 @!p0 $0x3;
	[sflag:s16] =	ssyncadd.s32 $0xFFFFD900  }
0x1a: {  	[spmem:s17], [sflag:s6] =	dma.local @!p0 [hbm:s5], $0x100  }
0x1b: {  	_ =	swait.ge @!p0 [sflag:s28], $0x100  }
0x1c: {  	[sflag:s28] =	ssyncset.done @!p0 $0x0  }
0x1d: {  	[sflag:s28] =	ssyncadd.s32 @!p0 $0xFFFFFF00  }
0x1e: {  	[tilespmem:s18], [sflag:$0x3] =	stream.linear.gather [hbm4b:s1+s3], $0x4000, $0x38;
	[tilespmem:$0x17A00] =	vst v63  }
0x1f: {  	_ =	swait.ge [sflag:s16], $0x4000  }
0x20: {  	[sflag:s16] =	ssyncset.done $0x0  }
0x21: {  	[sflag:s16] =	ssyncadd.s32 $0xFFFFC000  }
0x22: {  	[bflag:$0x0] =	sbarrier.arrive $0xFFFF  }
0x23: {  	[tilespmem:s19], [sflag:$0x1] =	stream.linear.gather [hbm4b:s7+s3], $0x80, $0x38;
	[tilespmem:$0x17A00] =	vst v63  }
0x24: {  	s28 =	sadd.s32 $0x0, s14  }
0x25: {  	[tilespmem:s20], [sflag:$0x2] =	stream.linear.gather [hbm4b:s28+s3], $0x80, $0x38;
	[tilespmem:$0x17A00] =	vst v63  }
0x26: {  	_ =	swait.ge [sflag:s21], $0x80  }
0x27: {  	[sflag:s21] =	ssyncset.done $0x0  }
0x28: {  	[sflag:s21] =	ssyncadd.s32 $0xFFFFFF80  }
0x29: {  	[spmem:s2] =	stream.indirect.scatter.add.f32 [tilespmem:s18], [sflag:$0x3], $0x80, s19, s22, $0xb8;
	[tilespmem:$0x17A00] =	vst v63  }
0x2a: {  	_ =	swait.ge [sflag:s16], $0x4000  }
0x2b: {  	s28 =	sshrl.u32 s13, $0x3;
	[sflag:s16] =	ssyncset.done $0x0  }
0x2c: {  	s28 =	sadd.s32 s4, s28;
	[sflag:s16] =	ssyncadd.s32 $0xFFFFC000  }
0x2d: {  	[tilespmem:s19], [sflag:$0x1] =	stream.linear.gather [hbm4b:s28+s3], $0x80, $0x38;
	[tilespmem:$0x17A00] =	vst v63  }
0x2e: {  	_ =	swait.ge [sflag:s23], $0x80  }
0x2f: {  	[sflag:s23] =	ssyncset.done $0x0  }
0x30: {  	[sflag:s23] =	ssyncadd.s32 $0xFFFFFF80  }
0x31: {  	[spmem:s2] =	stream.indirect.scatter.add.f32 [tilespmem:s18], [sflag:$0x3], $0x80, s20, s22, $0xb8;
	[tilespmem:$0x17A00] =	vst v63  }
0x32: {  	s29 =	simm.s32 $0x20;
	_ =	swait.ge [sflag:s16], $0x4000  }
0x33: {  	s30 =	simm.s32 $0x40;
	s28 =	sadd.s32 $0x100, s13;
	[sflag:s16] =	ssyncset.done $0x0  }
.LBB2_2:
0x34: {  	s31 =	sadd.s32 s29, s14  }
0x35: {  	[sflag:s16] =	ssyncadd.s32 $0xFFFFC000;
	s29 =	smov.u32 s30;
	s0 =	sadd.s32 $0x20, s30  }
0x36: {  	[tilespmem:s20], [sflag:$0x2] =	stream.linear.gather [hbm4b:s31+s3], $0x80, $0x38;
	[tilespmem:$0x17A00] =	vst v63  }
0x37: {  	p1 =	sne.s32 s30, $0x4A0;
	_ =	swait.ge [sflag:s21], $0x80  }
0x38: {  	[sflag:s21] =	ssyncset.done $0x0  }
0x39: {  	[sflag:s21] =	ssyncadd.s32 $0xFFFFFF80  }
0x3a: {  	[spmem:s2] =	stream.indirect.scatter.add.f32 [tilespmem:s18], [sflag:$0x3], $0x80, s19, s22, $0xb8;
	[tilespmem:$0x17A00] =	vst v63  }
0x3b: {  	_ =	swait.ge [sflag:s16], $0x4000  }
0x3c: {  	s30 =	sshrl.u32 s28, $0x3;
	[sflag:s16] =	ssyncset.done $0x0  }
0x3d: {  	s30 =	sadd.s32 s4, s30;
	[sflag:s16] =	ssyncadd.s32 $0xFFFFC000  }
0x3e: {  	[tilespmem:s19], [sflag:$0x1] =	stream.linear.gather [hbm4b:s30+s3], $0x80, $0x38;
	[tilespmem:$0x17A00] =	vst v63  }
0x3f: {  	_ =	swait.ge [sflag:s23], $0x80  }
.Ltmp0:
0x40: {  	[sflag:s23] =	ssyncset.done $0x0;
	(pc) =	sbr.rel @p1 .LBB2_2-.Ltmp0, $4  }
0x41: {  	[sflag:s23] =	ssyncadd.s32 $0xFFFFFF80  }
0x42: {  	[spmem:s2] =	stream.indirect.scatter.add.f32 [tilespmem:s18], [sflag:$0x3], $0x80, s20, s22, $0xb8;
	[tilespmem:$0x17A00] =	vst v63  }
0x43: {  	_ =	swait.ge [sflag:s16], $0x4000  }
0x44: {  	s28 =	sadd.s32 $0x100, s28;
	s30 =	smov.u32 s0;
	[sflag:s16] =	ssyncset.done $0x0  }
0x45: {  	s0 =	sadd.s32 s29, s14;
	[sflag:s16] =	ssyncadd.s32 $0xFFFFC000  }
0x46: {  	[tilespmem:s20], [sflag:$0x2] =	stream.linear.gather [hbm4b:s0+s3], $0x80, $0x38;
	[tilespmem:$0x17A00] =	vst v63  }
0x47: {  	_ =	swait.ge [sflag:s21], $0x80  }
0x48: {  	[sflag:s21] =	ssyncset.done $0x0  }
0x49: {  	[sflag:s21] =	ssyncadd.s32 $0xFFFFFF80  }
0x4a: {  	[spmem:s2] =	stream.indirect.scatter.add.f32 [tilespmem:s18], [sflag:$0x3], $0x80, s19, s22, $0xb8;
	[tilespmem:$0x17A00] =	vst v63  }
0x4b: {  	_ =	swait.ge [sflag:s16], $0x4000  }
0x4c: {  	s31 =	sshrl.u32 s28, $0x3;
	[sflag:s16] =	ssyncset.done $0x0  }
0x4d: {  	s0 =	sadd.s32 s4, s31;
	[sflag:s16] =	ssyncadd.s32 $0xFFFFC000  }
0x4e: {  	[tilespmem:s19], [sflag:$0x1] =	stream.linear.gather [hbm4b:s0+s3], $0x80, $0x38;
	[tilespmem:$0x17A00] =	vst v63  }
0x4f: {  	_ =	swait.ge [sflag:s23], $0x80  }
0x50: {  	[sflag:s23] =	ssyncset.done $0x0  }
0x51: {  	[sflag:s23] =	ssyncadd.s32 $0xFFFFFF80  }
0x52: {  	[spmem:s2] =	stream.indirect.scatter.add.f32 [tilespmem:s18], [sflag:$0x3], $0x80, s20, s22, $0xb8;
	[tilespmem:$0x17A00] =	vst v63  }
0x53: {  	_ =	swait.ge [sflag:s16], $0x4000  }
0x54: {  	[sflag:s16] =	ssyncset.done $0x0  }
0x55: {  	[sflag:s16] =	ssyncadd.s32 $0xFFFFC000  }
0x56: {  	[tilespmem:s20], [sflag:$0x2] =	stream.linear.gather [hbm4b:s12+s3], $0x80, $0x38;
	[tilespmem:$0x17A00] =	vst v63  }
0x57: {  	_ =	swait.ge [sflag:s21], $0x80  }
0x58: {  	[sflag:s21] =	ssyncset.done $0x0  }
0x59: {  	[sflag:s21] =	ssyncadd.s32 $0xFFFFFF80  }
0x5a: {  	[spmem:s2] =	stream.indirect.scatter.add.f32 [tilespmem:s18], [sflag:$0x3], $0x80, s19, s22, $0xb8;
	[tilespmem:$0x17A00] =	vst v63  }
0x5b: {  	_ =	swait.ge [sflag:s16], $0x4000  }
0x5c: {  	[sflag:s16] =	ssyncset.done $0x0  }
0x5d: {  	[sflag:s16] =	ssyncadd.s32 $0xFFFFC000  }
0x5e: {  	_ =	swait.ge [sflag:s23], $0x80  }
0x5f: {  	[sflag:s23] =	ssyncset.done $0x0  }
0x60: {  	[sflag:s23] =	ssyncadd.s32 $0xFFFFFF80  }
0x61: {  	[spmem:s2] =	stream.indirect.scatter.add.f32 [tilespmem:s18], [sflag:$0x3], $0x80, s20, s22, $0xb8;
	[tilespmem:$0x17A00] =	vst v63  }
0x62: {  	_ =	swait.ge [sflag:s16], $0x4000  }
0x63: {  	[sflag:s16] =	ssyncset.done $0x0  }
0x64: {  	[sflag:s16] =	ssyncadd.s32 $0xFFFFC000  }
0x65: {  	[tilespmem:s24], [sflag:$0x3] =	stream.linear.gather [hbm4b:s8+s3], $0x10, $0x38;
	[tilespmem:$0x17A00] =	vst v63  }
0x66: {  	_ =	swait.ge [sflag:s16], $0x10  }
0x67: {  	[sflag:s16] =	ssyncset.done $0x0  }
0x68: {  	[sflag:s16] =	ssyncadd.s32 $0xFFFFFFF0  }
0x69: {  	[spmem:s2] =	stream.indirect.scatter.add.f32 [tilespmem:s18], [sflag:$0x3], $0x80, s24, s25, $0xb8;
	[tilespmem:$0x17A00] =	vst v63  }
0x6a: {  	_ =	swait.ge [sflag:s16], $0x800  }
0x6b: {  	[sflag:s16] =	ssyncset.done $0x0  }
0x6c: {  	[sflag:s16] =	ssyncadd.s32 $0xFFFFF800  }
0x6d: {  	[bflag:$0x0] =	sbarrier.arrive $0xFFFF  }
0x6e: {  	[hbm:s9], [sflag:s6] =	dma.local [spmem:s15], $0x2700  }
0x6f: {  	s26 =	sadd.s32 $0x1, s26;
	_ =	swait.ge [sflag:s16], $0x2700  }
0x70: {  	p1 =	sne.s32 s26, s11;
	[sflag:s16] =	ssyncset.done $0x0  }
.Ltmp1:
0x71: {  	s0 =	simm.s32 @!p0 $0x3;
	[sflag:s16] =	ssyncadd.s32 $0xFFFFD900;
	(pc) =	sbr.rel @p1 .LBB2_1-.Ltmp1, $4  }
0x72: {  	[hbm:s10], [sflag:s6] =	dma.local @!p0 [spmem:s17], $0x100  }
0x73: {  	_ =	swait.ge @!p0 [sflag:s0], $0x100  }
0x74: {  	[sflag:s0] =	ssyncset.done @!p0 $0x0  }
0x75: {  	[sflag:s0] =	ssyncadd.s32 @!p0 $0xFFFFFF00  }
0x76: {  	_ =	sfence.sel $0x180000  }
0x77: {  	[bflag:$0x0] =	sbarrier.arrive $0xFFFF  }
0x78: {  	_ =	strace $0x90000047  }
0x79: {  	[bflag:$0x2] =	sbarrier.arrive $0xFFFF  }
0x7a: {  	s0 =	rddreg [dreg:$0x3]  }
0x7b: {  	s0 =	sadd.s32 @!p0 $0x100000, s0  }
0x7c: {  	[sflag:s0] =	ssyncadd.tile.s32 @!p0 $0x1;
	_ =	shalt  }
.Lfunc_end2:
_tile_overlayer_lowered:
.L_overlay_start_2:
0x7d: {  	(tag) =	ssettag $0x2  }
0x7e: {  	s0 =	rddreg [dreg:$0x0];
	s2 =	stileid.u32  }
0x7f: {  	s1 =	rddreg [dreg:$0x1];
	p0 =	sne.s32 s2, $0x0  }
0x80: {  	s3 =	rddreg [dreg:$0x2];
	[bflag:$0x3] =	sbarrier.arrive $0xFFFF;
	s2 =	simm.s32 @!p0 $0x1C03  }
0x81: {  	[timem:s3], [sflag:s2] =	dma.local @!p0 [hbm:s0], s1  }
0x82: {  	s0 =	simm.s32 @!p0 $0x3  }
0x83: {  	_ =	swait.ge @!p0 [sflag:s0], s1  }
0x84: {  	s1 =	ssub.s32 @!p0 $0x0, s1;
	[sflag:s0] =	ssyncset.done @!p0 $0x0  }
0x85: {  	[sflag:s0] =	ssyncadd.s32 @!p0 s1  }
0x86: {  	[bflag:$0x3] =	sbarrier.arrive $0xFFFF  }
0x87: {  	_ =	shalt  }

</sc_bundles>
